<compile_context>
chip_gen: v7x
topology: tpu7x:2x2x1
jax: 0.10.2.dev20260603
libtpu: 0.0.44.dev20260713+nightly
codegen_flags: <defaults>
</compile_context>

<pallas_src>
import jax
import jax.numpy as jnp
from jax import lax
from jax.experimental import pallas as pl
from jax.experimental.pallas import tpu as pltpu
from jax.experimental.pallas import tpu_sc as plsc

B = 1024
L = 50
DIM = 128
SEQ = 256
VALID = 4 * L
PAD_PER_CHUNK = (SEQ - VALID) // 4

NUM_CORES = 2
NUM_SUBCORES = 16
NW = NUM_CORES * NUM_SUBCORES
ROWS_PER_W = B // NW


def _body(text_hbm, table_hbm, out_hbm, text_v, gidx, sidx, small, spt, gsems, ssems):
    wid = lax.axis_index("s") * NUM_CORES + lax.axis_index("c")
    base_row = wid * ROWS_PER_W

    pltpu.sync_copy(text_hbm.at[pl.ds(base_row * L, ROWS_PER_W * L)], text_v)

    pl.when(lax.axis_index("s") == 0)(lambda: pltpu.sync_copy(table_hbm, spt))

    zeros16 = jnp.zeros((16,), jnp.float32)

    def _zero(i, carry):
        row = L + i // (DIM // 16)
        col = 16 * (i % (DIM // 16))
        small[0, row, pl.ds(col, 16)] = zeros16
        small[1, row, pl.ds(col, 16)] = zeros16
        return carry

    lax.fori_loop(0, (64 - L) * (DIM // 16), _zero, 0)
    plsc.subcore_barrier()

    lane = lax.iota(jnp.int32, 16)

    def fire_gather(p, r):
        r_base = jnp.full((16,), r * L, jnp.int32)
        for jb in range(4):
            src = jnp.minimum(lane + 16 * jb, L - 1)
            gidx[p, pl.ds(16 * jb, 16)] = plsc.load_gather(text_v, [r_base + src])
        pltpu.async_copy(
            spt.at[gidx.at[p].at[pl.ds(0, L)]],
            small.at[p].at[pl.ds(0, L)],
            gsems.at[p],
        )

    def wait_gather(p):
        pltpu.make_async_copy(
            spt.at[gidx.at[p].at[pl.ds(0, L)]],
            small.at[p].at[pl.ds(0, L)],
            gsems.at[p],
        ).wait()

    def fire_scatters(p, r):
        out_base = jnp.full((16,), (base_row + r) * SEQ, jnp.int32)
        for c in range(4):
            for jb in range(4):
                j = lane + 16 * jb
                dst = jnp.where(j < L, 4 * j + c,
                                VALID + PAD_PER_CHUNK * c + (j - L))
                sidx[p, c, pl.ds(16 * jb, 16)] = out_base + dst
        for c in range(4):
            pltpu.async_copy(
                small.at[p],
                out_hbm.at[sidx.at[p, c]],
                ssems.at[p],
            )

    def wait_scatters(p):
        for c in range(4):
            pltpu.make_async_copy(
                small.at[p],
                out_hbm.at[sidx.at[p, c]],
                ssems.at[p],
            ).wait()

    fire_gather(0, jnp.int32(0))

    def _pair(k, carry):
        a = 2 * k
        b = 2 * k + 1
        wait_gather(0)
        fire_gather(1, b)
        fire_scatters(0, a)
        wait_scatters(0)
        pl.when(k < ROWS_PER_W // 2 - 1)(lambda: fire_gather(0, a + 2))
        wait_gather(1)
        fire_scatters(1, b)
        wait_scatters(1)
        return carry

    lax.fori_loop(0, ROWS_PER_W // 2, _pair, 0)


def kernel(text, seq_len, table):
    del seq_len
    mesh = plsc.VectorSubcoreMesh(core_axis_name="c", subcore_axis_name="s")
    run = pl.kernel(
        _body,
        out_type=jax.ShapeDtypeStruct((B * SEQ, DIM), jnp.float32),
        mesh=mesh,
        compiler_params=pltpu.CompilerParams(needs_layout_passes=False),
        scratch_types=[
            pltpu.VMEM((ROWS_PER_W * L,), jnp.int32),
            pltpu.VMEM((2, 64), jnp.int32),
            pltpu.VMEM((2, 4, 64), jnp.int32),
            pltpu.VMEM((2, 64, DIM), jnp.float32),
            pltpu.VMEM_SHARED((1001, DIM), jnp.float32),
            pltpu.SemaphoreType.DMA((2,)),
            pltpu.SemaphoreType.DMA((2,)),
        ],
    )
    return run(text.reshape(-1), table).reshape(B, SEQ, DIM)

# --- scband reference (transcript-rebuilt; emitter-appended) ---
"""Pipeline reference for scband-text-embedding-40303973106053 (READ-ONLY COPY).

The authoritative reference and input builder live on the scoring server;
editing this copy changes nothing except your own understanding.
"""

import jax, jax.numpy as jnp
import numpy as np

B = 1024
L = 50
VOCAB = 1000  # text_num_embeds; table has VOCAB+1 rows (filler token)
DIM = 128
SEQ_LEN = 256


def setup_inputs(seed: int = 0) -> dict:
    key = jax.random.key(seed)
    k1, k2 = jax.random.split(key)
    text = jax.random.randint(k1, (B, L), 0, VOCAB, dtype=jnp.int32)
    table = jax.random.normal(k2, (VOCAB + 1, DIM), dtype=jnp.float32) * 0.02
    return {"text": text, "seq_len": SEQ_LEN, "table": table}


def reference(text, seq_len, table):
    # embedding lookup
    x = jnp.take(table, text, axis=0)            # [B, L, DIM]
    # torch.repeat_interleave(x, repeats=4, dim=1)
    x = jnp.repeat(x, 4, axis=1)                 # [B, 4*L, DIM]
    current_len = x.shape[1]
    target_len = SEQ_LEN
    if current_len < target_len:
        pad = jnp.zeros((x.shape[0], target_len - current_len, x.shape[2]), dtype=x.dtype)
        x = jnp.concatenate([x, pad], axis=1)
    elif current_len > target_len:
        x = x[:, :target_len, :]
    positions = jnp.arange(target_len)[None, :, None]
    x = jnp.where(positions < seq_len, x, jnp.zeros((), dtype=x.dtype))
    return x

if __name__ == "__main__":
    import jax
    _d = setup_inputs()
    print(jax.jit(kernel)(*tuple(_d.values())))

</pallas_src>

<mosaic_0001>
#map = affine_map<(d0, d1) -> (0)>
#map1 = affine_map<(d0, d1) -> (0, 0)>
module attributes {stable_mosaic.version = 14 : i64} {
  func.func @_body(%arg0: i32, %arg1: i32, %arg2: memref<51200xi32, #tpu.memory_space<hbm>>, %arg3: memref<1001x128xf32, #tpu.memory_space<hbm>>, %arg4: memref<262144x128xf32, #tpu.memory_space<hbm>>, %arg5: memref<1600xi32, #tpu.memory_space<vmem>>, %arg6: memref<2x64xi32, #tpu.memory_space<vmem>>, %arg7: memref<2x4x64xi32, #tpu.memory_space<vmem>>, %arg8: memref<2x64x128xf32, #tpu.memory_space<vmem>>, %arg9: memref<1001x128xf32, #tpu.memory_space<vmem_shared>>, %arg10: memref<2x!tpu.dma_semaphore, #tpu.memory_space<semaphore_mem>>, %arg11: memref<2x!tpu.dma_semaphore, #tpu.memory_space<semaphore_mem>>) attributes {dimension_semantics = [#tpu.dimension_semantics<core_parallel>, #tpu.dimension_semantics<subcore_parallel>], iteration_bounds = array<i64: 2, 16>, scalar_prefetch = 0 : i64, scratch_operands = 7 : i64, tpu.core_type = #tpu.core_type<sc_vector_subcore>, window_params = [{transform_indices = #map}, {transform_indices = #map1}, {transform_indices = #map1}]} {
    %mul3A = arith.constant 2 : i32
    %mul3A_0 = arith.muli %arg1, %mul3A : i32
    %add3A = arith.addi %mul3A_0, %arg0 : i32
    %mul3A_1 = arith.constant 32 : i32
    %mul3A_2 = arith.muli %add3A, %mul3A_1 : i32
    %mul3A_3 = arith.constant 50 : i32
    %mul3A_4 = arith.muli %mul3A_2, %mul3A_3 : i32
    "tpu.region"() ({
      %run_scoped3A = tpu.sem_alloc : memref<!tpu.dma_semaphore, #tpu.memory_space<semaphore_mem>>
      %dma_start3A_87 = tpu.memref_slice %arg2[%mul3A_4] : memref<51200xi32, #tpu.memory_space<hbm>> -> memref<1600xi32, #tpu.memory_space<hbm>>
      %dma_start3A_88 = tpu.memref_slice %arg2[%mul3A_4] : memref<51200xi32, #tpu.memory_space<hbm>> -> memref<1600xi32, #tpu.memory_space<hbm>>
      tpu.enqueue_dma source(%dma_start3A_88 : memref<1600xi32, #tpu.memory_space<hbm>>) target(%arg5 : memref<1600xi32, #tpu.memory_space<vmem>>) target_semaphore(%run_scoped3A : memref<!tpu.dma_semaphore, #tpu.memory_space<semaphore_mem>>)
      %dma_wait3A = tpu.memref_slice %arg2[%mul3A_4] : memref<51200xi32, #tpu.memory_space<hbm>> -> memref<1600xi32, #tpu.memory_space<hbm>>
      %dma_wait3A_89 = tpu.memref_slice %arg2[%mul3A_4] : memref<51200xi32, #tpu.memory_space<hbm>> -> memref<1600xi32, #tpu.memory_space<hbm>>
      tpu.wait_dma2 semaphore(%run_scoped3A : memref<!tpu.dma_semaphore, #tpu.memory_space<semaphore_mem>>) src(%dma_wait3A_89 : memref<1600xi32, #tpu.memory_space<hbm>>) dst(%arg5 : memref<1600xi32, #tpu.memory_space<vmem>>)
      tpu.yield
    }) : () -> ()
    %eq3A = arith.constant 0 : i32
    %eq3A_5 = arith.cmpi eq, %arg1, %eq3A : i32
    %convert_element_type3A = arith.extui %eq3A_5 : i1 to i32
    %cond3A = arith.constant 0 : i32
    %cond3A_6 = arith.cmpi ne, %convert_element_type3A, %cond3A : i32
    scf.if %cond3A_6 {
      "tpu.region"() ({
        %run_scoped3A = tpu.sem_alloc : memref<!tpu.dma_semaphore, #tpu.memory_space<semaphore_mem>>
        tpu.enqueue_dma source(%arg3 : memref<1001x128xf32, #tpu.memory_space<hbm>>) target(%arg9 : memref<1001x128xf32, #tpu.memory_space<vmem_shared>>) target_semaphore(%run_scoped3A : memref<!tpu.dma_semaphore, #tpu.memory_space<semaphore_mem>>)
        tpu.wait_dma2 semaphore(%run_scoped3A : memref<!tpu.dma_semaphore, #tpu.memory_space<semaphore_mem>>) src(%arg3 : memref<1001x128xf32, #tpu.memory_space<hbm>>) dst(%arg9 : memref<1001x128xf32, #tpu.memory_space<vmem_shared>>)
        tpu.yield
      }) : () -> ()
    } else {
    }
    %broadcast_in_dim3A = arith.constant 0.000000e+00 : f32
    %broadcast_in_dim3A_7 = vector.broadcast %broadcast_in_dim3A : f32 to vector<16xf32>
    %scan3A = arith.constant 0 : i32
    %scan3A_8 = arith.constant 0 : i32
    %scan3A_9 = arith.constant 112 : i32
    %scan3A_10 = arith.addi %scan3A_8, %scan3A_9 : i32
    %scan3A_11 = arith.constant 1 : i32
    scf.for %scan3A_87 = %scan3A_8 to %scan3A_10 step %scan3A_11  : i32 {
      %jit3A = arith.constant 8 : i32
      %div3A = arith.divsi %scan3A_87, %jit3A : i32
      %sign3A = arith.constant 0 : i32
      %sign3A_88 = arith.cmpi sgt, %scan3A_87, %sign3A : i32
      %sign3A_89 = arith.extui %sign3A_88 : i1 to i32
      %sign3A_90 = arith.constant 0 : i32
      %sign3A_91 = arith.cmpi slt, %scan3A_87, %sign3A_90 : i32
      %sign3A_92 = arith.extui %sign3A_91 : i1 to i32
      %sign3A_93 = arith.subi %sign3A_89, %sign3A_92 : i32
      %sign3A_94 = arith.constant 0 : i32
      %sign3A_95 = arith.cmpi sgt, %jit3A, %sign3A_94 : i32
      %sign3A_96 = arith.extui %sign3A_95 : i1 to i32
      %sign3A_97 = arith.constant 0 : i32
      %sign3A_98 = arith.cmpi slt, %jit3A, %sign3A_97 : i32
      %sign3A_99 = arith.extui %sign3A_98 : i1 to i32
      %sign3A_100 = arith.subi %sign3A_96, %sign3A_99 : i32
      %ne3A = arith.cmpi ne, %sign3A_93, %sign3A_100 : i32
      %rem3A = arith.remsi %scan3A_87, %jit3A : i32
      %ne3A_101 = arith.constant 0 : i32
      %ne3A_102 = arith.cmpi ne, %rem3A, %ne3A_101 : i32
      %and3A = arith.andi %ne3A, %ne3A_102 : i1
      %sub3A = arith.constant 1 : i32
      %sub3A_103 = arith.subi %div3A, %sub3A : i32
      %select_n3A = arith.select %and3A, %sub3A_103, %div3A : i32
      %add3A_104 = arith.constant 50 : i32
      %add3A_105 = arith.addi %add3A_104, %select_n3A : i32
      %jit3A_106 = arith.constant 8 : i32
      %eq3A_107 = arith.constant 0 : i32
      %eq3A_108 = arith.cmpi eq, %jit3A_106, %eq3A_107 : i32
      %jit3A_109 = arith.constant 1 : i32
      %select_n3A_110 = arith.select %eq3A_108, %jit3A_109, %jit3A_106 : i32
      %rem3A_111 = arith.remsi %scan3A_87, %select_n3A_110 : i32
      %ne3A_112 = arith.constant 0 : i32
      %ne3A_113 = arith.cmpi ne, %rem3A_111, %ne3A_112 : i32
      %lt3A = arith.constant 0 : i32
      %lt3A_114 = arith.cmpi slt, %rem3A_111, %lt3A : i32
      %lt3A_115 = arith.constant 0 : i32
      %lt3A_116 = arith.cmpi slt, %select_n3A_110, %lt3A_115 : i32
      %ne3A_117 = arith.xori %lt3A_114, %lt3A_116 : i1
      %and3A_118 = arith.andi %ne3A_117, %ne3A_113 : i1
      %add3A_119 = arith.addi %rem3A_111, %select_n3A_110 : i32
      %select_n3A_120 = arith.select %and3A_118, %add3A_119, %rem3A_111 : i32
      %mul3A_121 = arith.constant 16 : i32
      %mul3A_122 = arith.muli %mul3A_121, %select_n3A_120 : i32
      %swap3A_123 = arith.constant 0 : i32
      %swap3A_124 = arith.index_cast %swap3A_123 : i32 to index
      %swap3A_125 = arith.index_cast %add3A_105 : i32 to index
      %swap3A_126 = arith.index_cast %mul3A_122 : i32 to index
      %swap3A_127 = tpu.vector_load %arg8[%swap3A_124, %swap3A_125, %swap3A_126] {strides = array<i32>} : memref<2x64x128xf32, #tpu.memory_space<vmem>>, vector<16xf32>,
      tpu.vector_store %arg8[%swap3A_124, %swap3A_125, %swap3A_126], %broadcast_in_dim3A_7 {strides = array<i32>} : memref<2x64x128xf32, #tpu.memory_space<vmem>>, vector<16xf32>,
      %swap3A_128 = arith.constant 1 : i32
      %swap3A_129 = arith.index_cast %swap3A_128 : i32 to index
      %swap3A_130 = arith.index_cast %add3A_105 : i32 to index
      %swap3A_131 = arith.index_cast %mul3A_122 : i32 to index
      %swap3A_132 = tpu.vector_load %arg8[%swap3A_129, %swap3A_130, %swap3A_131] {strides = array<i32>} : memref<2x64x128xf32, #tpu.memory_space<vmem>>, vector<16xf32>,
      tpu.vector_store %arg8[%swap3A_129, %swap3A_130, %swap3A_131], %broadcast_in_dim3A_7 {strides = array<i32>} : memref<2x64x128xf32, #tpu.memory_space<vmem>>, vector<16xf32>,
    }
    %scan3A_12 = arith.constant 112 : i32
    %barrier3A = arith.constant 0 : index
    tpu.barrier barrier_id(%barrier3A)
    %iota3A = tpu.iota {dimensions = array<i32: 0>} : vector<16xi32>
    %mul3A_13 = arith.constant 0 : i32
    %mul3A_14 = arith.constant 50 : i32
    %mul3A_15 = arith.muli %mul3A_13, %mul3A_14 : i32
    %broadcast_in_dim3A_16 = vector.broadcast %mul3A_15 : i32 to vector<16xi32>
    %add3A_17 = arith.constant 0 : i32
    %add3A_18 = vector.broadcast %add3A_17 : i32 to vector<16xi32>
    %add3A_19 = arith.addi %iota3A, %add3A_18 : vector<16xi32>
    %min3A = arith.constant 49 : i32
    %min3A_20 = vector.broadcast %min3A : i32 to vector<16xi32>
    %min3A_21 = arith.minsi %add3A_19, %min3A_20 : vector<16xi32>
    %add3A_22 = arith.addi %broadcast_in_dim3A_16, %min3A_21 : vector<16xi32>
    %gather3A = tpu.vector_load_idx %arg5[%add3A_22] : memref<1600xi32, #tpu.memory_space<vmem>>[vector<16xi32>], vector<16xi32>,
    %swap3A = arith.constant 0 : i32
    %swap3A_23 = arith.index_cast %swap3A : i32 to index
    %swap3A_24 = arith.constant 0 : index
    %swap3A_25 = tpu.vector_load %arg6[%swap3A_23, %swap3A_24] {strides = array<i32>} : memref<2x64xi32, #tpu.memory_space<vmem>>, vector<16xi32>,
    tpu.vector_store %arg6[%swap3A_23, %swap3A_24], %gather3A {strides = array<i32>} : memref<2x64xi32, #tpu.memory_space<vmem>>, vector<16xi32>,
    %add3A_26 = arith.constant 16 : i32
    %add3A_27 = vector.broadcast %add3A_26 : i32 to vector<16xi32>
    %add3A_28 = arith.addi %iota3A, %add3A_27 : vector<16xi32>
    %min3A_29 = arith.constant 49 : i32
    %min3A_30 = vector.broadcast %min3A_29 : i32 to vector<16xi32>
    %min3A_31 = arith.minsi %add3A_28, %min3A_30 : vector<16xi32>
    %add3A_32 = arith.addi %broadcast_in_dim3A_16, %min3A_31 : vector<16xi32>
    %gather3A_33 = tpu.vector_load_idx %arg5[%add3A_32] : memref<1600xi32, #tpu.memory_space<vmem>>[vector<16xi32>], vector<16xi32>,
    %swap3A_34 = arith.constant 0 : i32
    %swap3A_35 = arith.index_cast %swap3A_34 : i32 to index
    %swap3A_36 = arith.constant 16 : index
    %swap3A_37 = tpu.vector_load %arg6[%swap3A_35, %swap3A_36] {strides = array<i32>} : memref<2x64xi32, #tpu.memory_space<vmem>>, vector<16xi32>,
    tpu.vector_store %arg6[%swap3A_35, %swap3A_36], %gather3A_33 {strides = array<i32>} : memref<2x64xi32, #tpu.memory_space<vmem>>, vector<16xi32>,
    %add3A_38 = arith.constant 32 : i32
    %add3A_39 = vector.broadcast %add3A_38 : i32 to vector<16xi32>
    %add3A_40 = arith.addi %iota3A, %add3A_39 : vector<16xi32>
    %min3A_41 = arith.constant 49 : i32
    %min3A_42 = vector.broadcast %min3A_41 : i32 to vector<16xi32>
    %min3A_43 = arith.minsi %add3A_40, %min3A_42 : vector<16xi32>
    %add3A_44 = arith.addi %broadcast_in_dim3A_16, %min3A_43 : vector<16xi32>
    %gather3A_45 = tpu.vector_load_idx %arg5[%add3A_44] : memref<1600xi32, #tpu.memory_space<vmem>>[vector<16xi32>], vector<16xi32>,
    %swap3A_46 = arith.constant 0 : i32
    %swap3A_47 = arith.index_cast %swap3A_46 : i32 to index
    %swap3A_48 = arith.constant 32 : index
    %swap3A_49 = tpu.vector_load %arg6[%swap3A_47, %swap3A_48] {strides = array<i32>} : memref<2x64xi32, #tpu.memory_space<vmem>>, vector<16xi32>,
    tpu.vector_store %arg6[%swap3A_47, %swap3A_48], %gather3A_45 {strides = array<i32>} : memref<2x64xi32, #tpu.memory_space<vmem>>, vector<16xi32>,
    %add3A_50 = arith.constant 48 : i32
    %add3A_51 = vector.broadcast %add3A_50 : i32 to vector<16xi32>
    %add3A_52 = arith.addi %iota3A, %add3A_51 : vector<16xi32>
    %min3A_53 = arith.constant 49 : i32
    %min3A_54 = vector.broadcast %min3A_53 : i32 to vector<16xi32>
    %min3A_55 = arith.minsi %add3A_52, %min3A_54 : vector<16xi32>
    %add3A_56 = arith.addi %broadcast_in_dim3A_16, %min3A_55 : vector<16xi32>
    %gather3A_57 = tpu.vector_load_idx %arg5[%add3A_56] : memref<1600xi32, #tpu.memory_space<vmem>>[vector<16xi32>], vector<16xi32>,
    %swap3A_58 = arith.constant 0 : i32
    %swap3A_59 = arith.index_cast %swap3A_58 : i32 to index
    %swap3A_60 = arith.constant 48 : index
    %swap3A_61 = tpu.vector_load %arg6[%swap3A_59, %swap3A_60] {strides = array<i32>} : memref<2x64xi32, #tpu.memory_space<vmem>>, vector<16xi32>,
    tpu.vector_store %arg6[%swap3A_59, %swap3A_60], %gather3A_57 {strides = array<i32>} : memref<2x64xi32, #tpu.memory_space<vmem>>, vector<16xi32>,
    %dma_start3A = arith.constant 0 : i32
    %dma_start3A_62 = arith.constant 0 : i32
    %dma_start3A_63 = arith.constant 0 : i32
    %dma_start3A_64 = arith.constant 0 : i32
    %dma_start3A_65 = arith.constant 0 : i32
    %dma_start3A_66 = tpu.memref_slice %arg8[%dma_start3A_62, %dma_start3A_64, %dma_start3A_65] : memref<2x64x128xf32, #tpu.memory_space<vmem>> -> memref<1x64x128xf32, #tpu.memory_space<vmem>>
    %dma_start3A_67 = tpu.memref_squeeze %dma_start3A_66 : memref<1x64x128xf32, #tpu.memory_space<vmem>> -> memref<64x128xf32, #tpu.memory_space<vmem>>
    %dma_start3A_68 = arith.constant 0 : i32
    %dma_start3A_69 = arith.constant 0 : i32
    %dma_start3A_70 = tpu.memref_slice %dma_start3A_67[%dma_start3A_68, %dma_start3A_69] : memref<64x128xf32, #tpu.memory_space<vmem>> -> memref<50x128xf32, #tpu.memory_space<vmem>>
    %dma_start3A_71 = arith.constant 0 : i32
    %dma_start3A_72 = tpu.memref_slice %arg6[%dma_start3A, %dma_start3A_71] : memref<2x64xi32, #tpu.memory_space<vmem>> -> memref<1x64xi32, #tpu.memory_space<vmem>>
    %dma_start3A_73 = tpu.memref_squeeze %dma_start3A_72 : memref<1x64xi32, #tpu.memory_space<vmem>> -> memref<64xi32, #tpu.memory_space<vmem>>
    %dma_start3A_74 = arith.constant 0 : i32
    %dma_start3A_75 = tpu.memref_slice %dma_start3A_73[%dma_start3A_74] : memref<64xi32, #tpu.memory_space<vmem>> -> memref<50xi32, #tpu.memory_space<vmem>>
    %dma_start3A_76 = arith.constant 0 : i32
    %dma_start3A_77 = arith.constant 0 : i32
    %dma_start3A_78 = tpu.memref_slice %arg9[%dma_start3A_76, %dma_start3A_77] : memref<1001x128xf32, #tpu.memory_space<vmem_shared>> -> memref<1001x128xf32, #tpu.memory_space<vmem_shared>>
    %dma_start3A_79 = tpu.memref_slice %arg10[%dma_start3A_63] : memref<2x!tpu.dma_semaphore, #tpu.memory_space<semaphore_mem>> -> memref<1x!tpu.dma_semaphore, #tpu.memory_space<semaphore_mem>>
    %dma_start3A_80 = tpu.memref_squeeze %dma_start3A_79 : memref<1x!tpu.dma_semaphore, #tpu.memory_space<semaphore_mem>> -> memref<!tpu.dma_semaphore, #tpu.memory_space<semaphore_mem>>
    tpu.enqueue_indirect_dma source(%dma_start3A_78 : memref<1001x128xf32, #tpu.memory_space<vmem_shared>>) target(%dma_start3A_70 : memref<50x128xf32, #tpu.memory_space<vmem>>) offsets(%dma_start3A_75 : memref<50xi32, #tpu.memory_space<vmem>>) semaphore(%dma_start3A_80 : memref<!tpu.dma_semaphore, #tpu.memory_space<semaphore_mem>>)
    %scan3A_81 = arith.constant 0 : i32
    %scan3A_82 = arith.constant 0 : i32
    %scan3A_83 = arith.constant 16 : i32
    %scan3A_84 = arith.addi %scan3A_82, %scan3A_83 : i32
    %scan3A_85 = arith.constant 1 : i32
    scf.for %scan3A_87 = %scan3A_82 to %scan3A_84 step %scan3A_85  : i32 {
      %mul3A_88 = arith.constant 2 : i32
      %mul3A_89 = arith.muli %mul3A_88, %scan3A_87 : i32
      %mul3A_90 = arith.constant 2 : i32
      %mul3A_91 = arith.muli %mul3A_90, %scan3A_87 : i32
      %add3A_92 = arith.constant 1 : i32
      %add3A_93 = arith.addi %mul3A_91, %add3A_92 : i32
      %dma_wait3A = arith.constant 0 : i32
      %dma_wait3A_94 = arith.constant 0 : i32
      %dma_wait3A_95 = arith.constant 0 : i32
      %dma_wait3A_96 = arith.constant 0 : i32
      %dma_wait3A_97 = arith.constant 0 : i32
      %dma_wait3A_98 = tpu.memref_slice %arg8[%dma_wait3A_94, %dma_wait3A_96, %dma_wait3A_97] : memref<2x64x128xf32, #tpu.memory_space<vmem>> -> memref<1x64x128xf32, #tpu.memory_space<vmem>>
      %dma_wait3A_99 = tpu.memref_squeeze %dma_wait3A_98 : memref<1x64x128xf32, #tpu.memory_space<vmem>> -> memref<64x128xf32, #tpu.memory_space<vmem>>
      %dma_wait3A_100 = arith.constant 0 : i32
      %dma_wait3A_101 = arith.constant 0 : i32
      %dma_wait3A_102 = tpu.memref_slice %dma_wait3A_99[%dma_wait3A_100, %dma_wait3A_101] : memref<64x128xf32, #tpu.memory_space<vmem>> -> memref<50x128xf32, #tpu.memory_space<vmem>>
      %dma_wait3A_103 = arith.constant 0 : i32
      %dma_wait3A_104 = tpu.memref_slice %arg6[%dma_wait3A, %dma_wait3A_103] : memref<2x64xi32, #tpu.memory_space<vmem>> -> memref<1x64xi32, #tpu.memory_space<vmem>>
      %dma_wait3A_105 = tpu.memref_squeeze %dma_wait3A_104 : memref<1x64xi32, #tpu.memory_space<vmem>> -> memref<64xi32, #tpu.memory_space<vmem>>
      %dma_wait3A_106 = arith.constant 0 : i32
      %dma_wait3A_107 = tpu.memref_slice %dma_wait3A_105[%dma_wait3A_106] : memref<64xi32, #tpu.memory_space<vmem>> -> memref<50xi32, #tpu.memory_space<vmem>>
      %dma_wait3A_108 = arith.constant 0 : i32
      %dma_wait3A_109 = arith.constant 0 : i32
      %dma_wait3A_110 = tpu.memref_slice %arg9[%dma_wait3A_108, %dma_wait3A_109] : memref<1001x128xf32, #tpu.memory_space<vmem_shared>> -> memref<1001x128xf32, #tpu.memory_space<vmem_shared>>
      %dma_wait3A_111 = tpu.memref_slice %arg10[%dma_wait3A_95] : memref<2x!tpu.dma_semaphore, #tpu.memory_space<semaphore_mem>> -> memref<1x!tpu.dma_semaphore, #tpu.memory_space<semaphore_mem>>
      %dma_wait3A_112 = tpu.memref_squeeze %dma_wait3A_111 : memref<1x!tpu.dma_semaphore, #tpu.memory_space<semaphore_mem>> -> memref<!tpu.dma_semaphore, #tpu.memory_space<semaphore_mem>>
      tpu.wait_indirect_dma semaphore(%dma_wait3A_112 : memref<!tpu.dma_semaphore, #tpu.memory_space<semaphore_mem>>) src(%dma_wait3A_110 : memref<1001x128xf32, #tpu.memory_space<vmem_shared>>) dst(%dma_wait3A_102 : memref<50x128xf32, #tpu.memory_space<vmem>>)
      %mul3A_113 = arith.constant 50 : i32
      %mul3A_114 = arith.muli %add3A_93, %mul3A_113 : i32
      %broadcast_in_dim3A_115 = vector.broadcast %mul3A_114 : i32 to vector<16xi32>
      %add3A_116 = arith.constant 0 : i32
      %add3A_117 = vector.broadcast %add3A_116 : i32 to vector<16xi32>
      %add3A_118 = arith.addi %iota3A, %add3A_117 : vector<16xi32>
      %min3A_119 = arith.constant 49 : i32
      %min3A_120 = vector.broadcast %min3A_119 : i32 to vector<16xi32>
      %min3A_121 = arith.minsi %add3A_118, %min3A_120 : vector<16xi32>
      %add3A_122 = arith.addi %broadcast_in_dim3A_115, %min3A_121 : vector<16xi32>
      %gather3A_123 = tpu.vector_load_idx %arg5[%add3A_122] : memref<1600xi32, #tpu.memory_space<vmem>>[vector<16xi32>], vector<16xi32>,
      %swap3A_124 = arith.constant 1 : i32
      %swap3A_125 = arith.index_cast %swap3A_124 : i32 to index
      %swap3A_126 = arith.constant 0 : index
      %swap3A_127 = tpu.vector_load %arg6[%swap3A_125, %swap3A_126] {strides = array<i32>} : memref<2x64xi32, #tpu.memory_space<vmem>>, vector<16xi32>,
      tpu.vector_store %arg6[%swap3A_125, %swap3A_126], %gather3A_123 {strides = array<i32>} : memref<2x64xi32, #tpu.memory_space<vmem>>, vector<16xi32>,
      %add3A_128 = arith.constant 16 : i32
      %add3A_129 = vector.broadcast %add3A_128 : i32 to vector<16xi32>
      %add3A_130 = arith.addi %iota3A, %add3A_129 : vector<16xi32>
      %min3A_131 = arith.constant 49 : i32
      %min3A_132 = vector.broadcast %min3A_131 : i32 to vector<16xi32>
      %min3A_133 = arith.minsi %add3A_130, %min3A_132 : vector<16xi32>
      %add3A_134 = arith.addi %broadcast_in_dim3A_115, %min3A_133 : vector<16xi32>
      %gather3A_135 = tpu.vector_load_idx %arg5[%add3A_134] : memref<1600xi32, #tpu.memory_space<vmem>>[vector<16xi32>], vector<16xi32>,
      %swap3A_136 = arith.constant 1 : i32
      %swap3A_137 = arith.index_cast %swap3A_136 : i32 to index
      %swap3A_138 = arith.constant 16 : index
      %swap3A_139 = tpu.vector_load %arg6[%swap3A_137, %swap3A_138] {strides = array<i32>} : memref<2x64xi32, #tpu.memory_space<vmem>>, vector<16xi32>,
      tpu.vector_store %arg6[%swap3A_137, %swap3A_138], %gather3A_135 {strides = array<i32>} : memref<2x64xi32, #tpu.memory_space<vmem>>, vector<16xi32>,
      %add3A_140 = arith.constant 32 : i32
      %add3A_141 = vector.broadcast %add3A_140 : i32 to vector<16xi32>
      %add3A_142 = arith.addi %iota3A, %add3A_141 : vector<16xi32>
      %min3A_143 = arith.constant 49 : i32
      %min3A_144 = vector.broadcast %min3A_143 : i32 to vector<16xi32>
      %min3A_145 = arith.minsi %add3A_142, %min3A_144 : vector<16xi32>
      %add3A_146 = arith.addi %broadcast_in_dim3A_115, %min3A_145 : vector<16xi32>
      %gather3A_147 = tpu.vector_load_idx %arg5[%add3A_146] : memref<1600xi32, #tpu.memory_space<vmem>>[vector<16xi32>], vector<16xi32>,
      %swap3A_148 = arith.constant 1 : i32
      %swap3A_149 = arith.index_cast %swap3A_148 : i32 to index
      %swap3A_150 = arith.constant 32 : index
      %swap3A_151 = tpu.vector_load %arg6[%swap3A_149, %swap3A_150] {strides = array<i32>} : memref<2x64xi32, #tpu.memory_space<vmem>>, vector<16xi32>,
      tpu.vector_store %arg6[%swap3A_149, %swap3A_150], %gather3A_147 {strides = array<i32>} : memref<2x64xi32, #tpu.memory_space<vmem>>, vector<16xi32>,
      %add3A_152 = arith.constant 48 : i32
      %add3A_153 = vector.broadcast %add3A_152 : i32 to vector<16xi32>
      %add3A_154 = arith.addi %iota3A, %add3A_153 : vector<16xi32>
      %min3A_155 = arith.constant 49 : i32
      %min3A_156 = vector.broadcast %min3A_155 : i32 to vector<16xi32>
      %min3A_157 = arith.minsi %add3A_154, %min3A_156 : vector<16xi32>
      %add3A_158 = arith.addi %broadcast_in_dim3A_115, %min3A_157 : vector<16xi32>
      %gather3A_159 = tpu.vector_load_idx %arg5[%add3A_158] : memref<1600xi32, #tpu.memory_space<vmem>>[vector<16xi32>], vector<16xi32>,
      %swap3A_160 = arith.constant 1 : i32
      %swap3A_161 = arith.index_cast %swap3A_160 : i32 to index
      %swap3A_162 = arith.constant 48 : index
      %swap3A_163 = tpu.vector_load %arg6[%swap3A_161, %swap3A_162] {strides = array<i32>} : memref<2x64xi32, #tpu.memory_space<vmem>>, vector<16xi32>,
      tpu.vector_store %arg6[%swap3A_161, %swap3A_162], %gather3A_159 {strides = array<i32>} : memref<2x64xi32, #tpu.memory_space<vmem>>, vector<16xi32>,
      %dma_start3A_164 = arith.constant 1 : i32
      %dma_start3A_165 = arith.constant 1 : i32
      %dma_start3A_166 = arith.constant 1 : i32
      %dma_start3A_167 = arith.constant 0 : i32
      %dma_start3A_168 = arith.constant 0 : i32
      %dma_start3A_169 = tpu.memref_slice %arg8[%dma_start3A_165, %dma_start3A_167, %dma_start3A_168] : memref<2x64x128xf32, #tpu.memory_space<vmem>> -> memref<1x64x128xf32, #tpu.memory_space<vmem>>
      %dma_start3A_170 = tpu.memref_squeeze %dma_start3A_169 : memref<1x64x128xf32, #tpu.memory_space<vmem>> -> memref<64x128xf32, #tpu.memory_space<vmem>>
      %dma_start3A_171 = arith.constant 0 : i32
      %dma_start3A_172 = arith.constant 0 : i32
      %dma_start3A_173 = tpu.memref_slice %dma_start3A_170[%dma_start3A_171, %dma_start3A_172] : memref<64x128xf32, #tpu.memory_space<vmem>> -> memref<50x128xf32, #tpu.memory_space<vmem>>
      %dma_start3A_174 = arith.constant 0 : i32
      %dma_start3A_175 = tpu.memref_slice %arg6[%dma_start3A_164, %dma_start3A_174] : memref<2x64xi32, #tpu.memory_space<vmem>> -> memref<1x64xi32, #tpu.memory_space<vmem>>
      %dma_start3A_176 = tpu.memref_squeeze %dma_start3A_175 : memref<1x64xi32, #tpu.memory_space<vmem>> -> memref<64xi32, #tpu.memory_space<vmem>>
      %dma_start3A_177 = arith.constant 0 : i32
      %dma_start3A_178 = tpu.memref_slice %dma_start3A_176[%dma_start3A_177] : memref<64xi32, #tpu.memory_space<vmem>> -> memref<50xi32, #tpu.memory_space<vmem>>
      %dma_start3A_179 = arith.constant 0 : i32
      %dma_start3A_180 = arith.constant 0 : i32
      %dma_start3A_181 = tpu.memref_slice %arg9[%dma_start3A_179, %dma_start3A_180] : memref<1001x128xf32, #tpu.memory_space<vmem_shared>> -> memref<1001x128xf32, #tpu.memory_space<vmem_shared>>
      %dma_start3A_182 = tpu.memref_slice %arg10[%dma_start3A_166] : memref<2x!tpu.dma_semaphore, #tpu.memory_space<semaphore_mem>> -> memref<1x!tpu.dma_semaphore, #tpu.memory_space<semaphore_mem>>
      %dma_start3A_183 = tpu.memref_squeeze %dma_start3A_182 : memref<1x!tpu.dma_semaphore, #tpu.memory_space<semaphore_mem>> -> memref<!tpu.dma_semaphore, #tpu.memory_space<semaphore_mem>>
      tpu.enqueue_indirect_dma source(%dma_start3A_181 : memref<1001x128xf32, #tpu.memory_space<vmem_shared>>) target(%dma_start3A_173 : memref<50x128xf32, #tpu.memory_space<vmem>>) offsets(%dma_start3A_178 : memref<50xi32, #tpu.memory_space<vmem>>) semaphore(%dma_start3A_183 : memref<!tpu.dma_semaphore, #tpu.memory_space<semaphore_mem>>)
      %add3A_184 = arith.addi %mul3A_2, %mul3A_89 : i32
      %mul3A_185 = arith.constant 256 : i32
      %mul3A_186 = arith.muli %add3A_184, %mul3A_185 : i32
      %broadcast_in_dim3A_187 = vector.broadcast %mul3A_186 : i32 to vector<16xi32>
      %add3A_188 = arith.constant 0 : i32
      %add3A_189 = vector.broadcast %add3A_188 : i32 to vector<16xi32>
      %add3A_190 = arith.addi %iota3A, %add3A_189 : vector<16xi32>
      %lt3A = arith.constant 50 : i32
      %lt3A_191 = vector.broadcast %lt3A : i32 to vector<16xi32>
      %lt3A_192 = arith.cmpi slt, %add3A_190, %lt3A_191 : vector<16xi32>
      %mul3A_193 = arith.constant 4 : i32
      %mul3A_194 = vector.broadcast %mul3A_193 : i32 to vector<16xi32>
      %mul3A_195 = arith.muli %mul3A_194, %add3A_190 : vector<16xi32>
      %add3A_196 = arith.constant 0 : i32
      %add3A_197 = vector.broadcast %add3A_196 : i32 to vector<16xi32>
      %add3A_198 = arith.addi %mul3A_195, %add3A_197 : vector<16xi32>
      %sub3A = arith.constant 50 : i32
      %sub3A_199 = vector.broadcast %sub3A : i32 to vector<16xi32>
      %sub3A_200 = arith.subi %add3A_190, %sub3A_199 : vector<16xi32>
      %add3A_201 = arith.constant 200 : i32
      %add3A_202 = vector.broadcast %add3A_201 : i32 to vector<16xi32>
      %add3A_203 = arith.addi %add3A_202, %sub3A_200 : vector<16xi32>
      %select_n3A = arith.select %lt3A_192, %add3A_198, %add3A_203 : vector<16xi1>, vector<16xi32>
      %add3A_204 = arith.addi %broadcast_in_dim3A_187, %select_n3A : vector<16xi32>
      %swap3A_205 = arith.constant 0 : i32
      %swap3A_206 = arith.constant 0 : i32
      %swap3A_207 = arith.index_cast %swap3A_205 : i32 to index
      %swap3A_208 = arith.index_cast %swap3A_206 : i32 to index
      %swap3A_209 = arith.constant 0 : index
      %swap3A_210 = tpu.vector_load %arg7[%swap3A_207, %swap3A_208, %swap3A_209] {strides = array<i32>} : memref<2x4x64xi32, #tpu.memory_space<vmem>>, vector<16xi32>,
      tpu.vector_store %arg7[%swap3A_207, %swap3A_208, %swap3A_209], %add3A_204 {strides = array<i32>} : memref<2x4x64xi32, #tpu.memory_space<vmem>>, vector<16xi32>,
      %add3A_211 = arith.constant 16 : i32
      %add3A_212 = vector.broadcast %add3A_211 : i32 to vector<16xi32>
      %add3A_213 = arith.addi %iota3A, %add3A_212 : vector<16xi32>
      %lt3A_214 = arith.constant 50 : i32
      %lt3A_215 = vector.broadcast %lt3A_214 : i32 to vector<16xi32>
      %lt3A_216 = arith.cmpi slt, %add3A_213, %lt3A_215 : vector<16xi32>
      %mul3A_217 = arith.constant 4 : i32
      %mul3A_218 = vector.broadcast %mul3A_217 : i32 to vector<16xi32>
      %mul3A_219 = arith.muli %mul3A_218, %add3A_213 : vector<16xi32>
      %add3A_220 = arith.constant 0 : i32
      %add3A_221 = vector.broadcast %add3A_220 : i32 to vector<16xi32>
      %add3A_222 = arith.addi %mul3A_219, %add3A_221 : vector<16xi32>
      %sub3A_223 = arith.constant 50 : i32
      %sub3A_224 = vector.broadcast %sub3A_223 : i32 to vector<16xi32>
      %sub3A_225 = arith.subi %add3A_213, %sub3A_224 : vector<16xi32>
      %add3A_226 = arith.constant 200 : i32
      %add3A_227 = vector.broadcast %add3A_226 : i32 to vector<16xi32>
      %add3A_228 = arith.addi %add3A_227, %sub3A_225 : vector<16xi32>
      %select_n3A_229 = arith.select %lt3A_216, %add3A_222, %add3A_228 : vector<16xi1>, vector<16xi32>
      %add3A_230 = arith.addi %broadcast_in_dim3A_187, %select_n3A_229 : vector<16xi32>
      %swap3A_231 = arith.constant 0 : i32
      %swap3A_232 = arith.constant 0 : i32
      %swap3A_233 = arith.index_cast %swap3A_231 : i32 to index
      %swap3A_234 = arith.index_cast %swap3A_232 : i32 to index
      %swap3A_235 = arith.constant 16 : index
      %swap3A_236 = tpu.vector_load %arg7[%swap3A_233, %swap3A_234, %swap3A_235] {strides = array<i32>} : memref<2x4x64xi32, #tpu.memory_space<vmem>>, vector<16xi32>,
      tpu.vector_store %arg7[%swap3A_233, %swap3A_234, %swap3A_235], %add3A_230 {strides = array<i32>} : memref<2x4x64xi32, #tpu.memory_space<vmem>>, vector<16xi32>,
      %add3A_237 = arith.constant 32 : i32
      %add3A_238 = vector.broadcast %add3A_237 : i32 to vector<16xi32>
      %add3A_239 = arith.addi %iota3A, %add3A_238 : vector<16xi32>
      %lt3A_240 = arith.constant 50 : i32
      %lt3A_241 = vector.broadcast %lt3A_240 : i32 to vector<16xi32>
      %lt3A_242 = arith.cmpi slt, %add3A_239, %lt3A_241 : vector<16xi32>
      %mul3A_243 = arith.constant 4 : i32
      %mul3A_244 = vector.broadcast %mul3A_243 : i32 to vector<16xi32>
      %mul3A_245 = arith.muli %mul3A_244, %add3A_239 : vector<16xi32>
      %add3A_246 = arith.constant 0 : i32
      %add3A_247 = vector.broadcast %add3A_246 : i32 to vector<16xi32>
      %add3A_248 = arith.addi %mul3A_245, %add3A_247 : vector<16xi32>
      %sub3A_249 = arith.constant 50 : i32
      %sub3A_250 = vector.broadcast %sub3A_249 : i32 to vector<16xi32>
      %sub3A_251 = arith.subi %add3A_239, %sub3A_250 : vector<16xi32>
      %add3A_252 = arith.constant 200 : i32
      %add3A_253 = vector.broadcast %add3A_252 : i32 to vector<16xi32>
      %add3A_254 = arith.addi %add3A_253, %sub3A_251 : vector<16xi32>
      %select_n3A_255 = arith.select %lt3A_242, %add3A_248, %add3A_254 : vector<16xi1>, vector<16xi32>
      %add3A_256 = arith.addi %broadcast_in_dim3A_187, %select_n3A_255 : vector<16xi32>
      %swap3A_257 = arith.constant 0 : i32
      %swap3A_258 = arith.constant 0 : i32
      %swap3A_259 = arith.index_cast %swap3A_257 : i32 to index
      %swap3A_260 = arith.index_cast %swap3A_258 : i32 to index
      %swap3A_261 = arith.constant 32 : index
      %swap3A_262 = tpu.vector_load %arg7[%swap3A_259, %swap3A_260, %swap3A_261] {strides = array<i32>} : memref<2x4x64xi32, #tpu.memory_space<vmem>>, vector<16xi32>,
      tpu.vector_store %arg7[%swap3A_259, %swap3A_260, %swap3A_261], %add3A_256 {strides = array<i32>} : memref<2x4x64xi32, #tpu.memory_space<vmem>>, vector<16xi32>,
      %add3A_263 = arith.constant 48 : i32
      %add3A_264 = vector.broadcast %add3A_263 : i32 to vector<16xi32>
      %add3A_265 = arith.addi %iota3A, %add3A_264 : vector<16xi32>
      %lt3A_266 = arith.constant 50 : i32
      %lt3A_267 = vector.broadcast %lt3A_266 : i32 to vector<16xi32>
      %lt3A_268 = arith.cmpi slt, %add3A_265, %lt3A_267 : vector<16xi32>
      %mul3A_269 = arith.constant 4 : i32
      %mul3A_270 = vector.broadcast %mul3A_269 : i32 to vector<16xi32>
      %mul3A_271 = arith.muli %mul3A_270, %add3A_265 : vector<16xi32>
      %add3A_272 = arith.constant 0 : i32
      %add3A_273 = vector.broadcast %add3A_272 : i32 to vector<16xi32>
      %add3A_274 = arith.addi %mul3A_271, %add3A_273 : vector<16xi32>
      %sub3A_275 = arith.constant 50 : i32
      %sub3A_276 = vector.broadcast %sub3A_275 : i32 to vector<16xi32>
      %sub3A_277 = arith.subi %add3A_265, %sub3A_276 : vector<16xi32>
      %add3A_278 = arith.constant 200 : i32
      %add3A_279 = vector.broadcast %add3A_278 : i32 to vector<16xi32>
      %add3A_280 = arith.addi %add3A_279, %sub3A_277 : vector<16xi32>
      %select_n3A_281 = arith.select %lt3A_268, %add3A_274, %add3A_280 : vector<16xi1>, vector<16xi32>
      %add3A_282 = arith.addi %broadcast_in_dim3A_187, %select_n3A_281 : vector<16xi32>
      %swap3A_283 = arith.constant 0 : i32
      %swap3A_284 = arith.constant 0 : i32
      %swap3A_285 = arith.index_cast %swap3A_283 : i32 to index
      %swap3A_286 = arith.index_cast %swap3A_284 : i32 to index
      %swap3A_287 = arith.constant 48 : index
      %swap3A_288 = tpu.vector_load %arg7[%swap3A_285, %swap3A_286, %swap3A_287] {strides = array<i32>} : memref<2x4x64xi32, #tpu.memory_space<vmem>>, vector<16xi32>,
      tpu.vector_store %arg7[%swap3A_285, %swap3A_286, %swap3A_287], %add3A_282 {strides = array<i32>} : memref<2x4x64xi32, #tpu.memory_space<vmem>>, vector<16xi32>,
      %add3A_289 = arith.constant 0 : i32
      %add3A_290 = vector.broadcast %add3A_289 : i32 to vector<16xi32>
      %add3A_291 = arith.addi %iota3A, %add3A_290 : vector<16xi32>
      %lt3A_292 = arith.constant 50 : i32
      %lt3A_293 = vector.broadcast %lt3A_292 : i32 to vector<16xi32>
      %lt3A_294 = arith.cmpi slt, %add3A_291, %lt3A_293 : vector<16xi32>
      %mul3A_295 = arith.constant 4 : i32
      %mul3A_296 = vector.broadcast %mul3A_295 : i32 to vector<16xi32>
      %mul3A_297 = arith.muli %mul3A_296, %add3A_291 : vector<16xi32>
      %add3A_298 = arith.constant 1 : i32
      %add3A_299 = vector.broadcast %add3A_298 : i32 to vector<16xi32>
      %add3A_300 = arith.addi %mul3A_297, %add3A_299 : vector<16xi32>
      %sub3A_301 = arith.constant 50 : i32
      %sub3A_302 = vector.broadcast %sub3A_301 : i32 to vector<16xi32>
      %sub3A_303 = arith.subi %add3A_291, %sub3A_302 : vector<16xi32>
      %add3A_304 = arith.constant 214 : i32
      %add3A_305 = vector.broadcast %add3A_304 : i32 to vector<16xi32>
      %add3A_306 = arith.addi %add3A_305, %sub3A_303 : vector<16xi32>
      %select_n3A_307 = arith.select %lt3A_294, %add3A_300, %add3A_306 : vector<16xi1>, vector<16xi32>
      %add3A_308 = arith.addi %broadcast_in_dim3A_187, %select_n3A_307 : vector<16xi32>
      %swap3A_309 = arith.constant 0 : i32
      %swap3A_310 = arith.constant 1 : i32
      %swap3A_311 = arith.index_cast %swap3A_309 : i32 to index
      %swap3A_312 = arith.index_cast %swap3A_310 : i32 to index
      %swap3A_313 = arith.constant 0 : index
      %swap3A_314 = tpu.vector_load %arg7[%swap3A_311, %swap3A_312, %swap3A_313] {strides = array<i32>} : memref<2x4x64xi32, #tpu.memory_space<vmem>>, vector<16xi32>,
      tpu.vector_store %arg7[%swap3A_311, %swap3A_312, %swap3A_313], %add3A_308 {strides = array<i32>} : memref<2x4x64xi32, #tpu.memory_space<vmem>>, vector<16xi32>,
      %add3A_315 = arith.constant 16 : i32
      %add3A_316 = vector.broadcast %add3A_315 : i32 to vector<16xi32>
      %add3A_317 = arith.addi %iota3A, %add3A_316 : vector<16xi32>
      %lt3A_318 = arith.constant 50 : i32
      %lt3A_319 = vector.broadcast %lt3A_318 : i32 to vector<16xi32>
      %lt3A_320 = arith.cmpi slt, %add3A_317, %lt3A_319 : vector<16xi32>
      %mul3A_321 = arith.constant 4 : i32
      %mul3A_322 = vector.broadcast %mul3A_321 : i32 to vector<16xi32>
      %mul3A_323 = arith.muli %mul3A_322, %add3A_317 : vector<16xi32>
      %add3A_324 = arith.constant 1 : i32
      %add3A_325 = vector.broadcast %add3A_324 : i32 to vector<16xi32>
      %add3A_326 = arith.addi %mul3A_323, %add3A_325 : vector<16xi32>
      %sub3A_327 = arith.constant 50 : i32
      %sub3A_328 = vector.broadcast %sub3A_327 : i32 to vector<16xi32>
      %sub3A_329 = arith.subi %add3A_317, %sub3A_328 : vector<16xi32>
      %add3A_330 = arith.constant 214 : i32
      %add3A_331 = vector.broadcast %add3A_330 : i32 to vector<16xi32>
      %add3A_332 = arith.addi %add3A_331, %sub3A_329 : vector<16xi32>
      %select_n3A_333 = arith.select %lt3A_320, %add3A_326, %add3A_332 : vector<16xi1>, vector<16xi32>
      %add3A_334 = arith.addi %broadcast_in_dim3A_187, %select_n3A_333 : vector<16xi32>
      %swap3A_335 = arith.constant 0 : i32
      %swap3A_336 = arith.constant 1 : i32
      %swap3A_337 = arith.index_cast %swap3A_335 : i32 to index
      %swap3A_338 = arith.index_cast %swap3A_336 : i32 to index
      %swap3A_339 = arith.constant 16 : index
      %swap3A_340 = tpu.vector_load %arg7[%swap3A_337, %swap3A_338, %swap3A_339] {strides = array<i32>} : memref<2x4x64xi32, #tpu.memory_space<vmem>>, vector<16xi32>,
      tpu.vector_store %arg7[%swap3A_337, %swap3A_338, %swap3A_339], %add3A_334 {strides = array<i32>} : memref<2x4x64xi32, #tpu.memory_space<vmem>>, vector<16xi32>,
      %add3A_341 = arith.constant 32 : i32
      %add3A_342 = vector.broadcast %add3A_341 : i32 to vector<16xi32>
      %add3A_343 = arith.addi %iota3A, %add3A_342 : vector<16xi32>
      %lt3A_344 = arith.constant 50 : i32
      %lt3A_345 = vector.broadcast %lt3A_344 : i32 to vector<16xi32>
      %lt3A_346 = arith.cmpi slt, %add3A_343, %lt3A_345 : vector<16xi32>
      %mul3A_347 = arith.constant 4 : i32
      %mul3A_348 = vector.broadcast %mul3A_347 : i32 to vector<16xi32>
      %mul3A_349 = arith.muli %mul3A_348, %add3A_343 : vector<16xi32>
      %add3A_350 = arith.constant 1 : i32
      %add3A_351 = vector.broadcast %add3A_350 : i32 to vector<16xi32>
      %add3A_352 = arith.addi %mul3A_349, %add3A_351 : vector<16xi32>
      %sub3A_353 = arith.constant 50 : i32
      %sub3A_354 = vector.broadcast %sub3A_353 : i32 to vector<16xi32>
      %sub3A_355 = arith.subi %add3A_343, %sub3A_354 : vector<16xi32>
      %add3A_356 = arith.constant 214 : i32
      %add3A_357 = vector.broadcast %add3A_356 : i32 to vector<16xi32>
      %add3A_358 = arith.addi %add3A_357, %sub3A_355 : vector<16xi32>
      %select_n3A_359 = arith.select %lt3A_346, %add3A_352, %add3A_358 : vector<16xi1>, vector<16xi32>
      %add3A_360 = arith.addi %broadcast_in_dim3A_187, %select_n3A_359 : vector<16xi32>
      %swap3A_361 = arith.constant 0 : i32
      %swap3A_362 = arith.constant 1 : i32
      %swap3A_363 = arith.index_cast %swap3A_361 : i32 to index
      %swap3A_364 = arith.index_cast %swap3A_362 : i32 to index
      %swap3A_365 = arith.constant 32 : index
      %swap3A_366 = tpu.vector_load %arg7[%swap3A_363, %swap3A_364, %swap3A_365] {strides = array<i32>} : memref<2x4x64xi32, #tpu.memory_space<vmem>>, vector<16xi32>,
      tpu.vector_store %arg7[%swap3A_363, %swap3A_364, %swap3A_365], %add3A_360 {strides = array<i32>} : memref<2x4x64xi32, #tpu.memory_space<vmem>>, vector<16xi32>,
      %add3A_367 = arith.constant 48 : i32
      %add3A_368 = vector.broadcast %add3A_367 : i32 to vector<16xi32>
      %add3A_369 = arith.addi %iota3A, %add3A_368 : vector<16xi32>
      %lt3A_370 = arith.constant 50 : i32
      %lt3A_371 = vector.broadcast %lt3A_370 : i32 to vector<16xi32>
      %lt3A_372 = arith.cmpi slt, %add3A_369, %lt3A_371 : vector<16xi32>
      %mul3A_373 = arith.constant 4 : i32
      %mul3A_374 = vector.broadcast %mul3A_373 : i32 to vector<16xi32>
      %mul3A_375 = arith.muli %mul3A_374, %add3A_369 : vector<16xi32>
      %add3A_376 = arith.constant 1 : i32
      %add3A_377 = vector.broadcast %add3A_376 : i32 to vector<16xi32>
      %add3A_378 = arith.addi %mul3A_375, %add3A_377 : vector<16xi32>
      %sub3A_379 = arith.constant 50 : i32
      %sub3A_380 = vector.broadcast %sub3A_379 : i32 to vector<16xi32>
      %sub3A_381 = arith.subi %add3A_369, %sub3A_380 : vector<16xi32>
      %add3A_382 = arith.constant 214 : i32
      %add3A_383 = vector.broadcast %add3A_382 : i32 to vector<16xi32>
      %add3A_384 = arith.addi %add3A_383, %sub3A_381 : vector<16xi32>
      %select_n3A_385 = arith.select %lt3A_372, %add3A_378, %add3A_384 : vector<16xi1>, vector<16xi32>
      %add3A_386 = arith.addi %broadcast_in_dim3A_187, %select_n3A_385 : vector<16xi32>
      %swap3A_387 = arith.constant 0 : i32
      %swap3A_388 = arith.constant 1 : i32
      %swap3A_389 = arith.index_cast %swap3A_387 : i32 to index
      %swap3A_390 = arith.index_cast %swap3A_388 : i32 to index
      %swap3A_391 = arith.constant 48 : index
      %swap3A_392 = tpu.vector_load %arg7[%swap3A_389, %swap3A_390, %swap3A_391] {strides = array<i32>} : memref<2x4x64xi32, #tpu.memory_space<vmem>>, vector<16xi32>,
      tpu.vector_store %arg7[%swap3A_389, %swap3A_390, %swap3A_391], %add3A_386 {strides = array<i32>} : memref<2x4x64xi32, #tpu.memory_space<vmem>>, vector<16xi32>,
      %add3A_393 = arith.constant 0 : i32
      %add3A_394 = vector.broadcast %add3A_393 : i32 to vector<16xi32>
      %add3A_395 = arith.addi %iota3A, %add3A_394 : vector<16xi32>
      %lt3A_396 = arith.constant 50 : i32
      %lt3A_397 = vector.broadcast %lt3A_396 : i32 to vector<16xi32>
      %lt3A_398 = arith.cmpi slt, %add3A_395, %lt3A_397 : vector<16xi32>
      %mul3A_399 = arith.constant 4 : i32
      %mul3A_400 = vector.broadcast %mul3A_399 : i32 to vector<16xi32>
      %mul3A_401 = arith.muli %mul3A_400, %add3A_395 : vector<16xi32>
      %add3A_402 = arith.constant 2 : i32
      %add3A_403 = vector.broadcast %add3A_402 : i32 to vector<16xi32>
      %add3A_404 = arith.addi %mul3A_401, %add3A_403 : vector<16xi32>
      %sub3A_405 = arith.constant 50 : i32
      %sub3A_406 = vector.broadcast %sub3A_405 : i32 to vector<16xi32>
      %sub3A_407 = arith.subi %add3A_395, %sub3A_406 : vector<16xi32>
      %add3A_408 = arith.constant 228 : i32
      %add3A_409 = vector.broadcast %add3A_408 : i32 to vector<16xi32>
      %add3A_410 = arith.addi %add3A_409, %sub3A_407 : vector<16xi32>
      %select_n3A_411 = arith.select %lt3A_398, %add3A_404, %add3A_410 : vector<16xi1>, vector<16xi32>
      %add3A_412 = arith.addi %broadcast_in_dim3A_187, %select_n3A_411 : vector<16xi32>
      %swap3A_413 = arith.constant 0 : i32
      %swap3A_414 = arith.constant 2 : i32
      %swap3A_415 = arith.index_cast %swap3A_413 : i32 to index
      %swap3A_416 = arith.index_cast %swap3A_414 : i32 to index
      %swap3A_417 = arith.constant 0 : index
      %swap3A_418 = tpu.vector_load %arg7[%swap3A_415, %swap3A_416, %swap3A_417] {strides = array<i32>} : memref<2x4x64xi32, #tpu.memory_space<vmem>>, vector<16xi32>,
      tpu.vector_store %arg7[%swap3A_415, %swap3A_416, %swap3A_417], %add3A_412 {strides = array<i32>} : memref<2x4x64xi32, #tpu.memory_space<vmem>>, vector<16xi32>,
      %add3A_419 = arith.constant 16 : i32
      %add3A_420 = vector.broadcast %add3A_419 : i32 to vector<16xi32>
      %add3A_421 = arith.addi %iota3A, %add3A_420 : vector<16xi32>
      %lt3A_422 = arith.constant 50 : i32
      %lt3A_423 = vector.broadcast %lt3A_422 : i32 to vector<16xi32>
      %lt3A_424 = arith.cmpi slt, %add3A_421, %lt3A_423 : vector<16xi32>
      %mul3A_425 = arith.constant 4 : i32
      %mul3A_426 = vector.broadcast %mul3A_425 : i32 to vector<16xi32>
      %mul3A_427 = arith.muli %mul3A_426, %add3A_421 : vector<16xi32>
      %add3A_428 = arith.constant 2 : i32
      %add3A_429 = vector.broadcast %add3A_428 : i32 to vector<16xi32>
      %add3A_430 = arith.addi %mul3A_427, %add3A_429 : vector<16xi32>
      %sub3A_431 = arith.constant 50 : i32
      %sub3A_432 = vector.broadcast %sub3A_431 : i32 to vector<16xi32>
      %sub3A_433 = arith.subi %add3A_421, %sub3A_432 : vector<16xi32>
      %add3A_434 = arith.constant 228 : i32
      %add3A_435 = vector.broadcast %add3A_434 : i32 to vector<16xi32>
      %add3A_436 = arith.addi %add3A_435, %sub3A_433 : vector<16xi32>
      %select_n3A_437 = arith.select %lt3A_424, %add3A_430, %add3A_436 : vector<16xi1>, vector<16xi32>
      %add3A_438 = arith.addi %broadcast_in_dim3A_187, %select_n3A_437 : vector<16xi32>
      %swap3A_439 = arith.constant 0 : i32
      %swap3A_440 = arith.constant 2 : i32
      %swap3A_441 = arith.index_cast %swap3A_439 : i32 to index
      %swap3A_442 = arith.index_cast %swap3A_440 : i32 to index
      %swap3A_443 = arith.constant 16 : index
      %swap3A_444 = tpu.vector_load %arg7[%swap3A_441, %swap3A_442, %swap3A_443] {strides = array<i32>} : memref<2x4x64xi32, #tpu.memory_space<vmem>>, vector<16xi32>,
      tpu.vector_store %arg7[%swap3A_441, %swap3A_442, %swap3A_443], %add3A_438 {strides = array<i32>} : memref<2x4x64xi32, #tpu.memory_space<vmem>>, vector<16xi32>,
      %add3A_445 = arith.constant 32 : i32
      %add3A_446 = vector.broadcast %add3A_445 : i32 to vector<16xi32>
      %add3A_447 = arith.addi %iota3A, %add3A_446 : vector<16xi32>
      %lt3A_448 = arith.constant 50 : i32
      %lt3A_449 = vector.broadcast %lt3A_448 : i32 to vector<16xi32>
      %lt3A_450 = arith.cmpi slt, %add3A_447, %lt3A_449 : vector<16xi32>
      %mul3A_451 = arith.constant 4 : i32
      %mul3A_452 = vector.broadcast %mul3A_451 : i32 to vector<16xi32>
      %mul3A_453 = arith.muli %mul3A_452, %add3A_447 : vector<16xi32>
      %add3A_454 = arith.constant 2 : i32
      %add3A_455 = vector.broadcast %add3A_454 : i32 to vector<16xi32>
      %add3A_456 = arith.addi %mul3A_453, %add3A_455 : vector<16xi32>
      %sub3A_457 = arith.constant 50 : i32
      %sub3A_458 = vector.broadcast %sub3A_457 : i32 to vector<16xi32>
      %sub3A_459 = arith.subi %add3A_447, %sub3A_458 : vector<16xi32>
      %add3A_460 = arith.constant 228 : i32
      %add3A_461 = vector.broadcast %add3A_460 : i32 to vector<16xi32>
      %add3A_462 = arith.addi %add3A_461, %sub3A_459 : vector<16xi32>
      %select_n3A_463 = arith.select %lt3A_450, %add3A_456, %add3A_462 : vector<16xi1>, vector<16xi32>
      %add3A_464 = arith.addi %broadcast_in_dim3A_187, %select_n3A_463 : vector<16xi32>
      %swap3A_465 = arith.constant 0 : i32
      %swap3A_466 = arith.constant 2 : i32
      %swap3A_467 = arith.index_cast %swap3A_465 : i32 to index
      %swap3A_468 = arith.index_cast %swap3A_466 : i32 to index
      %swap3A_469 = arith.constant 32 : index
      %swap3A_470 = tpu.vector_load %arg7[%swap3A_467, %swap3A_468, %swap3A_469] {strides = array<i32>} : memref<2x4x64xi32, #tpu.memory_space<vmem>>, vector<16xi32>,
      tpu.vector_store %arg7[%swap3A_467, %swap3A_468, %swap3A_469], %add3A_464 {strides = array<i32>} : memref<2x4x64xi32, #tpu.memory_space<vmem>>, vector<16xi32>,
      %add3A_471 = arith.constant 48 : i32
      %add3A_472 = vector.broadcast %add3A_471 : i32 to vector<16xi32>
      %add3A_473 = arith.addi %iota3A, %add3A_472 : vector<16xi32>
      %lt3A_474 = arith.constant 50 : i32
      %lt3A_475 = vector.broadcast %lt3A_474 : i32 to vector<16xi32>
      %lt3A_476 = arith.cmpi slt, %add3A_473, %lt3A_475 : vector<16xi32>
      %mul3A_477 = arith.constant 4 : i32
      %mul3A_478 = vector.broadcast %mul3A_477 : i32 to vector<16xi32>
      %mul3A_479 = arith.muli %mul3A_478, %add3A_473 : vector<16xi32>
      %add3A_480 = arith.constant 2 : i32
      %add3A_481 = vector.broadcast %add3A_480 : i32 to vector<16xi32>
      %add3A_482 = arith.addi %mul3A_479, %add3A_481 : vector<16xi32>
      %sub3A_483 = arith.constant 50 : i32
      %sub3A_484 = vector.broadcast %sub3A_483 : i32 to vector<16xi32>
      %sub3A_485 = arith.subi %add3A_473, %sub3A_484 : vector<16xi32>
      %add3A_486 = arith.constant 228 : i32
      %add3A_487 = vector.broadcast %add3A_486 : i32 to vector<16xi32>
      %add3A_488 = arith.addi %add3A_487, %sub3A_485 : vector<16xi32>
      %select_n3A_489 = arith.select %lt3A_476, %add3A_482, %add3A_488 : vector<16xi1>, vector<16xi32>
      %add3A_490 = arith.addi %broadcast_in_dim3A_187, %select_n3A_489 : vector<16xi32>
      %swap3A_491 = arith.constant 0 : i32
      %swap3A_492 = arith.constant 2 : i32
      %swap3A_493 = arith.index_cast %swap3A_491 : i32 to index
      %swap3A_494 = arith.index_cast %swap3A_492 : i32 to index
      %swap3A_495 = arith.constant 48 : index
      %swap3A_496 = tpu.vector_load %arg7[%swap3A_493, %swap3A_494, %swap3A_495] {strides = array<i32>} : memref<2x4x64xi32, #tpu.memory_space<vmem>>, vector<16xi32>,
      tpu.vector_store %arg7[%swap3A_493, %swap3A_494, %swap3A_495], %add3A_490 {strides = array<i32>} : memref<2x4x64xi32, #tpu.memory_space<vmem>>, vector<16xi32>,
      %add3A_497 = arith.constant 0 : i32
      %add3A_498 = vector.broadcast %add3A_497 : i32 to vector<16xi32>
      %add3A_499 = arith.addi %iota3A, %add3A_498 : vector<16xi32>
      %lt3A_500 = arith.constant 50 : i32
      %lt3A_501 = vector.broadcast %lt3A_500 : i32 to vector<16xi32>
      %lt3A_502 = arith.cmpi slt, %add3A_499, %lt3A_501 : vector<16xi32>
      %mul3A_503 = arith.constant 4 : i32
      %mul3A_504 = vector.broadcast %mul3A_503 : i32 to vector<16xi32>
      %mul3A_505 = arith.muli %mul3A_504, %add3A_499 : vector<16xi32>
      %add3A_506 = arith.constant 3 : i32
      %add3A_507 = vector.broadcast %add3A_506 : i32 to vector<16xi32>
      %add3A_508 = arith.addi %mul3A_505, %add3A_507 : vector<16xi32>
      %sub3A_509 = arith.constant 50 : i32
      %sub3A_510 = vector.broadcast %sub3A_509 : i32 to vector<16xi32>
      %sub3A_511 = arith.subi %add3A_499, %sub3A_510 : vector<16xi32>
      %add3A_512 = arith.constant 242 : i32
      %add3A_513 = vector.broadcast %add3A_512 : i32 to vector<16xi32>
      %add3A_514 = arith.addi %add3A_513, %sub3A_511 : vector<16xi32>
      %select_n3A_515 = arith.select %lt3A_502, %add3A_508, %add3A_514 : vector<16xi1>, vector<16xi32>
      %add3A_516 = arith.addi %broadcast_in_dim3A_187, %select_n3A_515 : vector<16xi32>
      %swap3A_517 = arith.constant 0 : i32
      %swap3A_518 = arith.constant 3 : i32
      %swap3A_519 = arith.index_cast %swap3A_517 : i32 to index
      %swap3A_520 = arith.index_cast %swap3A_518 : i32 to index
      %swap3A_521 = arith.constant 0 : index
      %swap3A_522 = tpu.vector_load %arg7[%swap3A_519, %swap3A_520, %swap3A_521] {strides = array<i32>} : memref<2x4x64xi32, #tpu.memory_space<vmem>>, vector<16xi32>,
      tpu.vector_store %arg7[%swap3A_519, %swap3A_520, %swap3A_521], %add3A_516 {strides = array<i32>} : memref<2x4x64xi32, #tpu.memory_space<vmem>>, vector<16xi32>,
      %add3A_523 = arith.constant 16 : i32
      %add3A_524 = vector.broadcast %add3A_523 : i32 to vector<16xi32>
      %add3A_525 = arith.addi %iota3A, %add3A_524 : vector<16xi32>
      %lt3A_526 = arith.constant 50 : i32
      %lt3A_527 = vector.broadcast %lt3A_526 : i32 to vector<16xi32>
      %lt3A_528 = arith.cmpi slt, %add3A_525, %lt3A_527 : vector<16xi32>
      %mul3A_529 = arith.constant 4 : i32
      %mul3A_530 = vector.broadcast %mul3A_529 : i32 to vector<16xi32>
      %mul3A_531 = arith.muli %mul3A_530, %add3A_525 : vector<16xi32>
      %add3A_532 = arith.constant 3 : i32
      %add3A_533 = vector.broadcast %add3A_532 : i32 to vector<16xi32>
      %add3A_534 = arith.addi %mul3A_531, %add3A_533 : vector<16xi32>
      %sub3A_535 = arith.constant 50 : i32
      %sub3A_536 = vector.broadcast %sub3A_535 : i32 to vector<16xi32>
      %sub3A_537 = arith.subi %add3A_525, %sub3A_536 : vector<16xi32>
      %add3A_538 = arith.constant 242 : i32
      %add3A_539 = vector.broadcast %add3A_538 : i32 to vector<16xi32>
      %add3A_540 = arith.addi %add3A_539, %sub3A_537 : vector<16xi32>
      %select_n3A_541 = arith.select %lt3A_528, %add3A_534, %add3A_540 : vector<16xi1>, vector<16xi32>
      %add3A_542 = arith.addi %broadcast_in_dim3A_187, %select_n3A_541 : vector<16xi32>
      %swap3A_543 = arith.constant 0 : i32
      %swap3A_544 = arith.constant 3 : i32
      %swap3A_545 = arith.index_cast %swap3A_543 : i32 to index
      %swap3A_546 = arith.index_cast %swap3A_544 : i32 to index
      %swap3A_547 = arith.constant 16 : index
      %swap3A_548 = tpu.vector_load %arg7[%swap3A_545, %swap3A_546, %swap3A_547] {strides = array<i32>} : memref<2x4x64xi32, #tpu.memory_space<vmem>>, vector<16xi32>,
      tpu.vector_store %arg7[%swap3A_545, %swap3A_546, %swap3A_547], %add3A_542 {strides = array<i32>} : memref<2x4x64xi32, #tpu.memory_space<vmem>>, vector<16xi32>,
      %add3A_549 = arith.constant 32 : i32
      %add3A_550 = vector.broadcast %add3A_549 : i32 to vector<16xi32>
      %add3A_551 = arith.addi %iota3A, %add3A_550 : vector<16xi32>
      %lt3A_552 = arith.constant 50 : i32
      %lt3A_553 = vector.broadcast %lt3A_552 : i32 to vector<16xi32>
      %lt3A_554 = arith.cmpi slt, %add3A_551, %lt3A_553 : vector<16xi32>
      %mul3A_555 = arith.constant 4 : i32
      %mul3A_556 = vector.broadcast %mul3A_555 : i32 to vector<16xi32>
      %mul3A_557 = arith.muli %mul3A_556, %add3A_551 : vector<16xi32>
      %add3A_558 = arith.constant 3 : i32
      %add3A_559 = vector.broadcast %add3A_558 : i32 to vector<16xi32>
      %add3A_560 = arith.addi %mul3A_557, %add3A_559 : vector<16xi32>
      %sub3A_561 = arith.constant 50 : i32
      %sub3A_562 = vector.broadcast %sub3A_561 : i32 to vector<16xi32>
      %sub3A_563 = arith.subi %add3A_551, %sub3A_562 : vector<16xi32>
      %add3A_564 = arith.constant 242 : i32
      %add3A_565 = vector.broadcast %add3A_564 : i32 to vector<16xi32>
      %add3A_566 = arith.addi %add3A_565, %sub3A_563 : vector<16xi32>
      %select_n3A_567 = arith.select %lt3A_554, %add3A_560, %add3A_566 : vector<16xi1>, vector<16xi32>
      %add3A_568 = arith.addi %broadcast_in_dim3A_187, %select_n3A_567 : vector<16xi32>
      %swap3A_569 = arith.constant 0 : i32
      %swap3A_570 = arith.constant 3 : i32
      %swap3A_571 = arith.index_cast %swap3A_569 : i32 to index
      %swap3A_572 = arith.index_cast %swap3A_570 : i32 to index
      %swap3A_573 = arith.constant 32 : index
      %swap3A_574 = tpu.vector_load %arg7[%swap3A_571, %swap3A_572, %swap3A_573] {strides = array<i32>} : memref<2x4x64xi32, #tpu.memory_space<vmem>>, vector<16xi32>,
      tpu.vector_store %arg7[%swap3A_571, %swap3A_572, %swap3A_573], %add3A_568 {strides = array<i32>} : memref<2x4x64xi32, #tpu.memory_space<vmem>>, vector<16xi32>,
      %add3A_575 = arith.constant 48 : i32
      %add3A_576 = vector.broadcast %add3A_575 : i32 to vector<16xi32>
      %add3A_577 = arith.addi %iota3A, %add3A_576 : vector<16xi32>
      %lt3A_578 = arith.constant 50 : i32
      %lt3A_579 = vector.broadcast %lt3A_578 : i32 to vector<16xi32>
      %lt3A_580 = arith.cmpi slt, %add3A_577, %lt3A_579 : vector<16xi32>
      %mul3A_581 = arith.constant 4 : i32
      %mul3A_582 = vector.broadcast %mul3A_581 : i32 to vector<16xi32>
      %mul3A_583 = arith.muli %mul3A_582, %add3A_577 : vector<16xi32>
      %add3A_584 = arith.constant 3 : i32
      %add3A_585 = vector.broadcast %add3A_584 : i32 to vector<16xi32>
      %add3A_586 = arith.addi %mul3A_583, %add3A_585 : vector<16xi32>
      %sub3A_587 = arith.constant 50 : i32
      %sub3A_588 = vector.broadcast %sub3A_587 : i32 to vector<16xi32>
      %sub3A_589 = arith.subi %add3A_577, %sub3A_588 : vector<16xi32>
      %add3A_590 = arith.constant 242 : i32
      %add3A_591 = vector.broadcast %add3A_590 : i32 to vector<16xi32>
      %add3A_592 = arith.addi %add3A_591, %sub3A_589 : vector<16xi32>
      %select_n3A_593 = arith.select %lt3A_580, %add3A_586, %add3A_592 : vector<16xi1>, vector<16xi32>
      %add3A_594 = arith.addi %broadcast_in_dim3A_187, %select_n3A_593 : vector<16xi32>
      %swap3A_595 = arith.constant 0 : i32
      %swap3A_596 = arith.constant 3 : i32
      %swap3A_597 = arith.index_cast %swap3A_595 : i32 to index
      %swap3A_598 = arith.index_cast %swap3A_596 : i32 to index
      %swap3A_599 = arith.constant 48 : index
      %swap3A_600 = tpu.vector_load %arg7[%swap3A_597, %swap3A_598, %swap3A_599] {strides = array<i32>} : memref<2x4x64xi32, #tpu.memory_space<vmem>>, vector<16xi32>,
      tpu.vector_store %arg7[%swap3A_597, %swap3A_598, %swap3A_599], %add3A_594 {strides = array<i32>} : memref<2x4x64xi32, #tpu.memory_space<vmem>>, vector<16xi32>,
      %dma_start3A_601 = arith.constant 0 : i32
      %dma_start3A_602 = arith.constant 0 : i32
      %dma_start3A_603 = arith.constant 0 : i32
      %dma_start3A_604 = arith.constant 0 : i32
      %dma_start3A_605 = arith.constant 0 : i32
      %dma_start3A_606 = arith.constant 0 : i32
      %dma_start3A_607 = tpu.memref_slice %arg8[%dma_start3A_601, %dma_start3A_605, %dma_start3A_606] : memref<2x64x128xf32, #tpu.memory_space<vmem>> -> memref<1x64x128xf32, #tpu.memory_space<vmem>>
      %dma_start3A_608 = tpu.memref_squeeze %dma_start3A_607 : memref<1x64x128xf32, #tpu.memory_space<vmem>> -> memref<64x128xf32, #tpu.memory_space<vmem>>
      %dma_start3A_609 = arith.constant 0 : i32
      %dma_start3A_610 = tpu.memref_slice %arg7[%dma_start3A_602, %dma_start3A_603, %dma_start3A_609] : memref<2x4x64xi32, #tpu.memory_space<vmem>> -> memref<1x1x64xi32, #tpu.memory_space<vmem>>
      %dma_start3A_611 = tpu.memref_squeeze %dma_start3A_610 : memref<1x1x64xi32, #tpu.memory_space<vmem>> -> memref<64xi32, #tpu.memory_space<vmem>>
      %dma_start3A_612 = arith.constant 0 : i32
      %dma_start3A_613 = arith.constant 0 : i32
      %dma_start3A_614 = tpu.memref_slice %arg4[%dma_start3A_612, %dma_start3A_613] : memref<262144x128xf32, #tpu.memory_space<hbm>> -> memref<262144x128xf32, #tpu.memory_space<hbm>>
      %dma_start3A_615 = tpu.memref_slice %arg11[%dma_start3A_604] : memref<2x!tpu.dma_semaphore, #tpu.memory_space<semaphore_mem>> -> memref<1x!tpu.dma_semaphore, #tpu.memory_space<semaphore_mem>>
      %dma_start3A_616 = tpu.memref_squeeze %dma_start3A_615 : memref<1x!tpu.dma_semaphore, #tpu.memory_space<semaphore_mem>> -> memref<!tpu.dma_semaphore, #tpu.memory_space<semaphore_mem>>
      tpu.enqueue_indirect_dma source(%dma_start3A_608 : memref<64x128xf32, #tpu.memory_space<vmem>>) target(%dma_start3A_614 : memref<262144x128xf32, #tpu.memory_space<hbm>>) offsets(%dma_start3A_611 : memref<64xi32, #tpu.memory_space<vmem>>) semaphore(%dma_start3A_616 : memref<!tpu.dma_semaphore, #tpu.memory_space<semaphore_mem>>)
      %dma_start3A_617 = arith.constant 0 : i32
      %dma_start3A_618 = arith.constant 0 : i32
      %dma_start3A_619 = arith.constant 1 : i32
      %dma_start3A_620 = arith.constant 0 : i32
      %dma_start3A_621 = arith.constant 0 : i32
      %dma_start3A_622 = arith.constant 0 : i32
      %dma_start3A_623 = tpu.memref_slice %arg8[%dma_start3A_617, %dma_start3A_621, %dma_start3A_622] : memref<2x64x128xf32, #tpu.memory_space<vmem>> -> memref<1x64x128xf32, #tpu.memory_space<vmem>>
      %dma_start3A_624 = tpu.memref_squeeze %dma_start3A_623 : memref<1x64x128xf32, #tpu.memory_space<vmem>> -> memref<64x128xf32, #tpu.memory_space<vmem>>
      %dma_start3A_625 = arith.constant 0 : i32
      %dma_start3A_626 = tpu.memref_slice %arg7[%dma_start3A_618, %dma_start3A_619, %dma_start3A_625] : memref<2x4x64xi32, #tpu.memory_space<vmem>> -> memref<1x1x64xi32, #tpu.memory_space<vmem>>
      %dma_start3A_627 = tpu.memref_squeeze %dma_start3A_626 : memref<1x1x64xi32, #tpu.memory_space<vmem>> -> memref<64xi32, #tpu.memory_space<vmem>>
      %dma_start3A_628 = arith.constant 0 : i32
      %dma_start3A_629 = arith.constant 0 : i32
      %dma_start3A_630 = tpu.memref_slice %arg4[%dma_start3A_628, %dma_start3A_629] : memref<262144x128xf32, #tpu.memory_space<hbm>> -> memref<262144x128xf32, #tpu.memory_space<hbm>>
      %dma_start3A_631 = tpu.memref_slice %arg11[%dma_start3A_620] : memref<2x!tpu.dma_semaphore, #tpu.memory_space<semaphore_mem>> -> memref<1x!tpu.dma_semaphore, #tpu.memory_space<semaphore_mem>>
      %dma_start3A_632 = tpu.memref_squeeze %dma_start3A_631 : memref<1x!tpu.dma_semaphore, #tpu.memory_space<semaphore_mem>> -> memref<!tpu.dma_semaphore, #tpu.memory_space<semaphore_mem>>
      tpu.enqueue_indirect_dma source(%dma_start3A_624 : memref<64x128xf32, #tpu.memory_space<vmem>>) target(%dma_start3A_630 : memref<262144x128xf32, #tpu.memory_space<hbm>>) offsets(%dma_start3A_627 : memref<64xi32, #tpu.memory_space<vmem>>) semaphore(%dma_start3A_632 : memref<!tpu.dma_semaphore, #tpu.memory_space<semaphore_mem>>)
      %dma_start3A_633 = arith.constant 0 : i32
      %dma_start3A_634 = arith.constant 0 : i32
      %dma_start3A_635 = arith.constant 2 : i32
      %dma_start3A_636 = arith.constant 0 : i32
      %dma_start3A_637 = arith.constant 0 : i32
      %dma_start3A_638 = arith.constant 0 : i32
      %dma_start3A_639 = tpu.memref_slice %arg8[%dma_start3A_633, %dma_start3A_637, %dma_start3A_638] : memref<2x64x128xf32, #tpu.memory_space<vmem>> -> memref<1x64x128xf32, #tpu.memory_space<vmem>>
      %dma_start3A_640 = tpu.memref_squeeze %dma_start3A_639 : memref<1x64x128xf32, #tpu.memory_space<vmem>> -> memref<64x128xf32, #tpu.memory_space<vmem>>
      %dma_start3A_641 = arith.constant 0 : i32
      %dma_start3A_642 = tpu.memref_slice %arg7[%dma_start3A_634, %dma_start3A_635, %dma_start3A_641] : memref<2x4x64xi32, #tpu.memory_space<vmem>> -> memref<1x1x64xi32, #tpu.memory_space<vmem>>
      %dma_start3A_643 = tpu.memref_squeeze %dma_start3A_642 : memref<1x1x64xi32, #tpu.memory_space<vmem>> -> memref<64xi32, #tpu.memory_space<vmem>>
      %dma_start3A_644 = arith.constant 0 : i32
      %dma_start3A_645 = arith.constant 0 : i32
      %dma_start3A_646 = tpu.memref_slice %arg4[%dma_start3A_644, %dma_start3A_645] : memref<262144x128xf32, #tpu.memory_space<hbm>> -> memref<262144x128xf32, #tpu.memory_space<hbm>>
      %dma_start3A_647 = tpu.memref_slice %arg11[%dma_start3A_636] : memref<2x!tpu.dma_semaphore, #tpu.memory_space<semaphore_mem>> -> memref<1x!tpu.dma_semaphore, #tpu.memory_space<semaphore_mem>>
      %dma_start3A_648 = tpu.memref_squeeze %dma_start3A_647 : memref<1x!tpu.dma_semaphore, #tpu.memory_space<semaphore_mem>> -> memref<!tpu.dma_semaphore, #tpu.memory_space<semaphore_mem>>
      tpu.enqueue_indirect_dma source(%dma_start3A_640 : memref<64x128xf32, #tpu.memory_space<vmem>>) target(%dma_start3A_646 : memref<262144x128xf32, #tpu.memory_space<hbm>>) offsets(%dma_start3A_643 : memref<64xi32, #tpu.memory_space<vmem>>) semaphore(%dma_start3A_648 : memref<!tpu.dma_semaphore, #tpu.memory_space<semaphore_mem>>)
      %dma_start3A_649 = arith.constant 0 : i32
      %dma_start3A_650 = arith.constant 0 : i32
      %dma_start3A_651 = arith.constant 3 : i32
      %dma_start3A_652 = arith.constant 0 : i32
      %dma_start3A_653 = arith.constant 0 : i32
      %dma_start3A_654 = arith.constant 0 : i32
      %dma_start3A_655 = tpu.memref_slice %arg8[%dma_start3A_649, %dma_start3A_653, %dma_start3A_654] : memref<2x64x128xf32, #tpu.memory_space<vmem>> -> memref<1x64x128xf32, #tpu.memory_space<vmem>>
      %dma_start3A_656 = tpu.memref_squeeze %dma_start3A_655 : memref<1x64x128xf32, #tpu.memory_space<vmem>> -> memref<64x128xf32, #tpu.memory_space<vmem>>
      %dma_start3A_657 = arith.constant 0 : i32
      %dma_start3A_658 = tpu.memref_slice %arg7[%dma_start3A_650, %dma_start3A_651, %dma_start3A_657] : memref<2x4x64xi32, #tpu.memory_space<vmem>> -> memref<1x1x64xi32, #tpu.memory_space<vmem>>
      %dma_start3A_659 = tpu.memref_squeeze %dma_start3A_658 : memref<1x1x64xi32, #tpu.memory_space<vmem>> -> memref<64xi32, #tpu.memory_space<vmem>>
      %dma_start3A_660 = arith.constant 0 : i32
      %dma_start3A_661 = arith.constant 0 : i32
      %dma_start3A_662 = tpu.memref_slice %arg4[%dma_start3A_660, %dma_start3A_661] : memref<262144x128xf32, #tpu.memory_space<hbm>> -> memref<262144x128xf32, #tpu.memory_space<hbm>>
      %dma_start3A_663 = tpu.memref_slice %arg11[%dma_start3A_652] : memref<2x!tpu.dma_semaphore, #tpu.memory_space<semaphore_mem>> -> memref<1x!tpu.dma_semaphore, #tpu.memory_space<semaphore_mem>>
      %dma_start3A_664 = tpu.memref_squeeze %dma_start3A_663 : memref<1x!tpu.dma_semaphore, #tpu.memory_space<semaphore_mem>> -> memref<!tpu.dma_semaphore, #tpu.memory_space<semaphore_mem>>
      tpu.enqueue_indirect_dma source(%dma_start3A_656 : memref<64x128xf32, #tpu.memory_space<vmem>>) target(%dma_start3A_662 : memref<262144x128xf32, #tpu.memory_space<hbm>>) offsets(%dma_start3A_659 : memref<64xi32, #tpu.memory_space<vmem>>) semaphore(%dma_start3A_664 : memref<!tpu.dma_semaphore, #tpu.memory_space<semaphore_mem>>)
      %dma_wait3A_665 = arith.constant 0 : i32
      %dma_wait3A_666 = arith.constant 0 : i32
      %dma_wait3A_667 = arith.constant 0 : i32
      %dma_wait3A_668 = arith.constant 0 : i32
      %dma_wait3A_669 = arith.constant 0 : i32
      %dma_wait3A_670 = arith.constant 0 : i32
      %dma_wait3A_671 = tpu.memref_slice %arg8[%dma_wait3A_665, %dma_wait3A_669, %dma_wait3A_670] : memref<2x64x128xf32, #tpu.memory_space<vmem>> -> memref<1x64x128xf32, #tpu.memory_space<vmem>>
      %dma_wait3A_672 = tpu.memref_squeeze %dma_wait3A_671 : memref<1x64x128xf32, #tpu.memory_space<vmem>> -> memref<64x128xf32, #tpu.memory_space<vmem>>
      %dma_wait3A_673 = arith.constant 0 : i32
      %dma_wait3A_674 = tpu.memref_slice %arg7[%dma_wait3A_666, %dma_wait3A_667, %dma_wait3A_673] : memref<2x4x64xi32, #tpu.memory_space<vmem>> -> memref<1x1x64xi32, #tpu.memory_space<vmem>>
      %dma_wait3A_675 = tpu.memref_squeeze %dma_wait3A_674 : memref<1x1x64xi32, #tpu.memory_space<vmem>> -> memref<64xi32, #tpu.memory_space<vmem>>
      %dma_wait3A_676 = arith.constant 0 : i32
      %dma_wait3A_677 = arith.constant 0 : i32
      %dma_wait3A_678 = tpu.memref_slice %arg4[%dma_wait3A_676, %dma_wait3A_677] : memref<262144x128xf32, #tpu.memory_space<hbm>> -> memref<262144x128xf32, #tpu.memory_space<hbm>>
      %dma_wait3A_679 = tpu.memref_slice %arg11[%dma_wait3A_668] : memref<2x!tpu.dma_semaphore, #tpu.memory_space<semaphore_mem>> -> memref<1x!tpu.dma_semaphore, #tpu.memory_space<semaphore_mem>>
      %dma_wait3A_680 = tpu.memref_squeeze %dma_wait3A_679 : memref<1x!tpu.dma_semaphore, #tpu.memory_space<semaphore_mem>> -> memref<!tpu.dma_semaphore, #tpu.memory_space<semaphore_mem>>
      tpu.wait_indirect_dma semaphore(%dma_wait3A_680 : memref<!tpu.dma_semaphore, #tpu.memory_space<semaphore_mem>>) src(%dma_wait3A_672 : memref<64x128xf32, #tpu.memory_space<vmem>>) dst(%dma_wait3A_678 : memref<262144x128xf32, #tpu.memory_space<hbm>>)
      %dma_wait3A_681 = arith.constant 0 : i32
      %dma_wait3A_682 = arith.constant 0 : i32
      %dma_wait3A_683 = arith.constant 1 : i32
      %dma_wait3A_684 = arith.constant 0 : i32
      %dma_wait3A_685 = arith.constant 0 : i32
      %dma_wait3A_686 = arith.constant 0 : i32
      %dma_wait3A_687 = tpu.memref_slice %arg8[%dma_wait3A_681, %dma_wait3A_685, %dma_wait3A_686] : memref<2x64x128xf32, #tpu.memory_space<vmem>> -> memref<1x64x128xf32, #tpu.memory_space<vmem>>
      %dma_wait3A_688 = tpu.memref_squeeze %dma_wait3A_687 : memref<1x64x128xf32, #tpu.memory_space<vmem>> -> memref<64x128xf32, #tpu.memory_space<vmem>>
      %dma_wait3A_689 = arith.constant 0 : i32
      %dma_wait3A_690 = tpu.memref_slice %arg7[%dma_wait3A_682, %dma_wait3A_683, %dma_wait3A_689] : memref<2x4x64xi32, #tpu.memory_space<vmem>> -> memref<1x1x64xi32, #tpu.memory_space<vmem>>
      %dma_wait3A_691 = tpu.memref_squeeze %dma_wait3A_690 : memref<1x1x64xi32, #tpu.memory_space<vmem>> -> memref<64xi32, #tpu.memory_space<vmem>>
      %dma_wait3A_692 = arith.constant 0 : i32
      %dma_wait3A_693 = arith.constant 0 : i32
      %dma_wait3A_694 = tpu.memref_slice %arg4[%dma_wait3A_692, %dma_wait3A_693] : memref<262144x128xf32, #tpu.memory_space<hbm>> -> memref<262144x128xf32, #tpu.memory_space<hbm>>
      %dma_wait3A_695 = tpu.memref_slice %arg11[%dma_wait3A_684] : memref<2x!tpu.dma_semaphore, #tpu.memory_space<semaphore_mem>> -> memref<1x!tpu.dma_semaphore, #tpu.memory_space<semaphore_mem>>
      %dma_wait3A_696 = tpu.memref_squeeze %dma_wait3A_695 : memref<1x!tpu.dma_semaphore, #tpu.memory_space<semaphore_mem>> -> memref<!tpu.dma_semaphore, #tpu.memory_space<semaphore_mem>>
      tpu.wait_indirect_dma semaphore(%dma_wait3A_696 : memref<!tpu.dma_semaphore, #tpu.memory_space<semaphore_mem>>) src(%dma_wait3A_688 : memref<64x128xf32, #tpu.memory_space<vmem>>) dst(%dma_wait3A_694 : memref<262144x128xf32, #tpu.memory_space<hbm>>)
      %dma_wait3A_697 = arith.constant 0 : i32
      %dma_wait3A_698 = arith.constant 0 : i32
      %dma_wait3A_699 = arith.constant 2 : i32
      %dma_wait3A_700 = arith.constant 0 : i32
      %dma_wait3A_701 = arith.constant 0 : i32
      %dma_wait3A_702 = arith.constant 0 : i32
      %dma_wait3A_703 = tpu.memref_slice %arg8[%dma_wait3A_697, %dma_wait3A_701, %dma_wait3A_702] : memref<2x64x128xf32, #tpu.memory_space<vmem>> -> memref<1x64x128xf32, #tpu.memory_space<vmem>>
      %dma_wait3A_704 = tpu.memref_squeeze %dma_wait3A_703 : memref<1x64x128xf32, #tpu.memory_space<vmem>> -> memref<64x128xf32, #tpu.memory_space<vmem>>
      %dma_wait3A_705 = arith.constant 0 : i32
      %dma_wait3A_706 = tpu.memref_slice %arg7[%dma_wait3A_698, %dma_wait3A_699, %dma_wait3A_705] : memref<2x4x64xi32, #tpu.memory_space<vmem>> -> memref<1x1x64xi32, #tpu.memory_space<vmem>>
      %dma_wait3A_707 = tpu.memref_squeeze %dma_wait3A_706 : memref<1x1x64xi32, #tpu.memory_space<vmem>> -> memref<64xi32, #tpu.memory_space<vmem>>
      %dma_wait3A_708 = arith.constant 0 : i32
      %dma_wait3A_709 = arith.constant 0 : i32
      %dma_wait3A_710 = tpu.memref_slice %arg4[%dma_wait3A_708, %dma_wait3A_709] : memref<262144x128xf32, #tpu.memory_space<hbm>> -> memref<262144x128xf32, #tpu.memory_space<hbm>>
      %dma_wait3A_711 = tpu.memref_slice %arg11[%dma_wait3A_700] : memref<2x!tpu.dma_semaphore, #tpu.memory_space<semaphore_mem>> -> memref<1x!tpu.dma_semaphore, #tpu.memory_space<semaphore_mem>>
      %dma_wait3A_712 = tpu.memref_squeeze %dma_wait3A_711 : memref<1x!tpu.dma_semaphore, #tpu.memory_space<semaphore_mem>> -> memref<!tpu.dma_semaphore, #tpu.memory_space<semaphore_mem>>
      tpu.wait_indirect_dma semaphore(%dma_wait3A_712 : memref<!tpu.dma_semaphore, #tpu.memory_space<semaphore_mem>>) src(%dma_wait3A_704 : memref<64x128xf32, #tpu.memory_space<vmem>>) dst(%dma_wait3A_710 : memref<262144x128xf32, #tpu.memory_space<hbm>>)
      %dma_wait3A_713 = arith.constant 0 : i32
      %dma_wait3A_714 = arith.constant 0 : i32
      %dma_wait3A_715 = arith.constant 3 : i32
      %dma_wait3A_716 = arith.constant 0 : i32
      %dma_wait3A_717 = arith.constant 0 : i32
      %dma_wait3A_718 = arith.constant 0 : i32
      %dma_wait3A_719 = tpu.memref_slice %arg8[%dma_wait3A_713, %dma_wait3A_717, %dma_wait3A_718] : memref<2x64x128xf32, #tpu.memory_space<vmem>> -> memref<1x64x128xf32, #tpu.memory_space<vmem>>
      %dma_wait3A_720 = tpu.memref_squeeze %dma_wait3A_719 : memref<1x64x128xf32, #tpu.memory_space<vmem>> -> memref<64x128xf32, #tpu.memory_space<vmem>>
      %dma_wait3A_721 = arith.constant 0 : i32
      %dma_wait3A_722 = tpu.memref_slice %arg7[%dma_wait3A_714, %dma_wait3A_715, %dma_wait3A_721] : memref<2x4x64xi32, #tpu.memory_space<vmem>> -> memref<1x1x64xi32, #tpu.memory_space<vmem>>
      %dma_wait3A_723 = tpu.memref_squeeze %dma_wait3A_722 : memref<1x1x64xi32, #tpu.memory_space<vmem>> -> memref<64xi32, #tpu.memory_space<vmem>>
      %dma_wait3A_724 = arith.constant 0 : i32
      %dma_wait3A_725 = arith.constant 0 : i32
      %dma_wait3A_726 = tpu.memref_slice %arg4[%dma_wait3A_724, %dma_wait3A_725] : memref<262144x128xf32, #tpu.memory_space<hbm>> -> memref<262144x128xf32, #tpu.memory_space<hbm>>
      %dma_wait3A_727 = tpu.memref_slice %arg11[%dma_wait3A_716] : memref<2x!tpu.dma_semaphore, #tpu.memory_space<semaphore_mem>> -> memref<1x!tpu.dma_semaphore, #tpu.memory_space<semaphore_mem>>
      %dma_wait3A_728 = tpu.memref_squeeze %dma_wait3A_727 : memref<1x!tpu.dma_semaphore, #tpu.memory_space<semaphore_mem>> -> memref<!tpu.dma_semaphore, #tpu.memory_space<semaphore_mem>>
      tpu.wait_indirect_dma semaphore(%dma_wait3A_728 : memref<!tpu.dma_semaphore, #tpu.memory_space<semaphore_mem>>) src(%dma_wait3A_720 : memref<64x128xf32, #tpu.memory_space<vmem>>) dst(%dma_wait3A_726 : memref<262144x128xf32, #tpu.memory_space<hbm>>)
      %lt3A_729 = arith.constant 15 : i32
      %lt3A_730 = arith.cmpi slt, %scan3A_87, %lt3A_729 : i32
      %convert_element_type3A_731 = arith.extui %lt3A_730 : i1 to i32
      %cond3A_732 = arith.constant 0 : i32
      %cond3A_733 = arith.cmpi ne, %convert_element_type3A_731, %cond3A_732 : i32
      scf.if %cond3A_733 {
        %add3A_1302 = arith.constant 2 : i32
        %add3A_1303 = arith.addi %mul3A_89, %add3A_1302 : i32
        %mul3A_1304 = arith.constant 50 : i32
        %mul3A_1305 = arith.muli %add3A_1303, %mul3A_1304 : i32
        %broadcast_in_dim3A_1306 = vector.broadcast %mul3A_1305 : i32 to vector<16xi32>
        %add3A_1307 = arith.constant 0 : i32
        %add3A_1308 = vector.broadcast %add3A_1307 : i32 to vector<16xi32>
        %add3A_1309 = arith.addi %iota3A, %add3A_1308 : vector<16xi32>
        %min3A_1310 = arith.constant 49 : i32
        %min3A_1311 = vector.broadcast %min3A_1310 : i32 to vector<16xi32>
        %min3A_1312 = arith.minsi %add3A_1309, %min3A_1311 : vector<16xi32>
        %add3A_1313 = arith.addi %broadcast_in_dim3A_1306, %min3A_1312 : vector<16xi32>
        %gather3A_1314 = tpu.vector_load_idx %arg5[%add3A_1313] : memref<1600xi32, #tpu.memory_space<vmem>>[vector<16xi32>], vector<16xi32>,
        %swap3A_1315 = arith.constant 0 : i32
        %swap3A_1316 = arith.index_cast %swap3A_1315 : i32 to index
        %swap3A_1317 = arith.constant 0 : index
        %swap3A_1318 = tpu.vector_load %arg6[%swap3A_1316, %swap3A_1317] {strides = array<i32>} : memref<2x64xi32, #tpu.memory_space<vmem>>, vector<16xi32>,
        tpu.vector_store %arg6[%swap3A_1316, %swap3A_1317], %gather3A_1314 {strides = array<i32>} : memref<2x64xi32, #tpu.memory_space<vmem>>, vector<16xi32>,
        %add3A_1319 = arith.constant 16 : i32
        %add3A_1320 = vector.broadcast %add3A_1319 : i32 to vector<16xi32>
        %add3A_1321 = arith.addi %iota3A, %add3A_1320 : vector<16xi32>
        %min3A_1322 = arith.constant 49 : i32
        %min3A_1323 = vector.broadcast %min3A_1322 : i32 to vector<16xi32>
        %min3A_1324 = arith.minsi %add3A_1321, %min3A_1323 : vector<16xi32>
        %add3A_1325 = arith.addi %broadcast_in_dim3A_1306, %min3A_1324 : vector<16xi32>
        %gather3A_1326 = tpu.vector_load_idx %arg5[%add3A_1325] : memref<1600xi32, #tpu.memory_space<vmem>>[vector<16xi32>], vector<16xi32>,
        %swap3A_1327 = arith.constant 0 : i32
        %swap3A_1328 = arith.index_cast %swap3A_1327 : i32 to index
        %swap3A_1329 = arith.constant 16 : index
        %swap3A_1330 = tpu.vector_load %arg6[%swap3A_1328, %swap3A_1329] {strides = array<i32>} : memref<2x64xi32, #tpu.memory_space<vmem>>, vector<16xi32>,
        tpu.vector_store %arg6[%swap3A_1328, %swap3A_1329], %gather3A_1326 {strides = array<i32>} : memref<2x64xi32, #tpu.memory_space<vmem>>, vector<16xi32>,
        %add3A_1331 = arith.constant 32 : i32
        %add3A_1332 = vector.broadcast %add3A_1331 : i32 to vector<16xi32>
        %add3A_1333 = arith.addi %iota3A, %add3A_1332 : vector<16xi32>
        %min3A_1334 = arith.constant 49 : i32
        %min3A_1335 = vector.broadcast %min3A_1334 : i32 to vector<16xi32>
        %min3A_1336 = arith.minsi %add3A_1333, %min3A_1335 : vector<16xi32>
        %add3A_1337 = arith.addi %broadcast_in_dim3A_1306, %min3A_1336 : vector<16xi32>
        %gather3A_1338 = tpu.vector_load_idx %arg5[%add3A_1337] : memref<1600xi32, #tpu.memory_space<vmem>>[vector<16xi32>], vector<16xi32>,
        %swap3A_1339 = arith.constant 0 : i32
        %swap3A_1340 = arith.index_cast %swap3A_1339 : i32 to index
        %swap3A_1341 = arith.constant 32 : index
        %swap3A_1342 = tpu.vector_load %arg6[%swap3A_1340, %swap3A_1341] {strides = array<i32>} : memref<2x64xi32, #tpu.memory_space<vmem>>, vector<16xi32>,
        tpu.vector_store %arg6[%swap3A_1340, %swap3A_1341], %gather3A_1338 {strides = array<i32>} : memref<2x64xi32, #tpu.memory_space<vmem>>, vector<16xi32>,
        %add3A_1343 = arith.constant 48 : i32
        %add3A_1344 = vector.broadcast %add3A_1343 : i32 to vector<16xi32>
        %add3A_1345 = arith.addi %iota3A, %add3A_1344 : vector<16xi32>
        %min3A_1346 = arith.constant 49 : i32
        %min3A_1347 = vector.broadcast %min3A_1346 : i32 to vector<16xi32>
        %min3A_1348 = arith.minsi %add3A_1345, %min3A_1347 : vector<16xi32>
        %add3A_1349 = arith.addi %broadcast_in_dim3A_1306, %min3A_1348 : vector<16xi32>
        %gather3A_1350 = tpu.vector_load_idx %arg5[%add3A_1349] : memref<1600xi32, #tpu.memory_space<vmem>>[vector<16xi32>], vector<16xi32>,
        %swap3A_1351 = arith.constant 0 : i32
        %swap3A_1352 = arith.index_cast %swap3A_1351 : i32 to index
        %swap3A_1353 = arith.constant 48 : index
        %swap3A_1354 = tpu.vector_load %arg6[%swap3A_1352, %swap3A_1353] {strides = array<i32>} : memref<2x64xi32, #tpu.memory_space<vmem>>, vector<16xi32>,
        tpu.vector_store %arg6[%swap3A_1352, %swap3A_1353], %gather3A_1350 {strides = array<i32>} : memref<2x64xi32, #tpu.memory_space<vmem>>, vector<16xi32>,
        %dma_start3A_1355 = arith.constant 0 : i32
        %dma_start3A_1356 = arith.constant 0 : i32
        %dma_start3A_1357 = arith.constant 0 : i32
        %dma_start3A_1358 = arith.constant 0 : i32
        %dma_start3A_1359 = arith.constant 0 : i32
        %dma_start3A_1360 = tpu.memref_slice %arg8[%dma_start3A_1356, %dma_start3A_1358, %dma_start3A_1359] : memref<2x64x128xf32, #tpu.memory_space<vmem>> -> memref<1x64x128xf32, #tpu.memory_space<vmem>>
        %dma_start3A_1361 = tpu.memref_squeeze %dma_start3A_1360 : memref<1x64x128xf32, #tpu.memory_space<vmem>> -> memref<64x128xf32, #tpu.memory_space<vmem>>
        %dma_start3A_1362 = arith.constant 0 : i32
        %dma_start3A_1363 = arith.constant 0 : i32
        %dma_start3A_1364 = tpu.memref_slice %dma_start3A_1361[%dma_start3A_1362, %dma_start3A_1363] : memref<64x128xf32, #tpu.memory_space<vmem>> -> memref<50x128xf32, #tpu.memory_space<vmem>>
        %dma_start3A_1365 = arith.constant 0 : i32
        %dma_start3A_1366 = tpu.memref_slice %arg6[%dma_start3A_1355, %dma_start3A_1365] : memref<2x64xi32, #tpu.memory_space<vmem>> -> memref<1x64xi32, #tpu.memory_space<vmem>>
        %dma_start3A_1367 = tpu.memref_squeeze %dma_start3A_1366 : memref<1x64xi32, #tpu.memory_space<vmem>> -> memref<64xi32, #tpu.memory_space<vmem>>
        %dma_start3A_1368 = arith.constant 0 : i32
        %dma_start3A_1369 = tpu.memref_slice %dma_start3A_1367[%dma_start3A_1368] : memref<64xi32, #tpu.memory_space<vmem>> -> memref<50xi32, #tpu.memory_space<vmem>>
        %dma_start3A_1370 = arith.constant 0 : i32
        %dma_start3A_1371 = arith.constant 0 : i32
        %dma_start3A_1372 = tpu.memref_slice %arg9[%dma_start3A_1370, %dma_start3A_1371] : memref<1001x128xf32, #tpu.memory_space<vmem_shared>> -> memref<1001x128xf32, #tpu.memory_space<vmem_shared>>
        %dma_start3A_1373 = tpu.memref_slice %arg10[%dma_start3A_1357] : memref<2x!tpu.dma_semaphore, #tpu.memory_space<semaphore_mem>> -> memref<1x!tpu.dma_semaphore, #tpu.memory_space<semaphore_mem>>
        %dma_start3A_1374 = tpu.memref_squeeze %dma_start3A_1373 : memref<1x!tpu.dma_semaphore, #tpu.memory_space<semaphore_mem>> -> memref<!tpu.dma_semaphore, #tpu.memory_space<semaphore_mem>>
        tpu.enqueue_indirect_dma source(%dma_start3A_1372 : memref<1001x128xf32, #tpu.memory_space<vmem_shared>>) target(%dma_start3A_1364 : memref<50x128xf32, #tpu.memory_space<vmem>>) offsets(%dma_start3A_1369 : memref<50xi32, #tpu.memory_space<vmem>>) semaphore(%dma_start3A_1374 : memref<!tpu.dma_semaphore, #tpu.memory_space<semaphore_mem>>)
      } else {
      }
      %dma_wait3A_734 = arith.constant 1 : i32
      %dma_wait3A_735 = arith.constant 1 : i32
      %dma_wait3A_736 = arith.constant 1 : i32
      %dma_wait3A_737 = arith.constant 0 : i32
      %dma_wait3A_738 = arith.constant 0 : i32
      %dma_wait3A_739 = tpu.memref_slice %arg8[%dma_wait3A_735, %dma_wait3A_737, %dma_wait3A_738] : memref<2x64x128xf32, #tpu.memory_space<vmem>> -> memref<1x64x128xf32, #tpu.memory_space<vmem>>
      %dma_wait3A_740 = tpu.memref_squeeze %dma_wait3A_739 : memref<1x64x128xf32, #tpu.memory_space<vmem>> -> memref<64x128xf32, #tpu.memory_space<vmem>>
      %dma_wait3A_741 = arith.constant 0 : i32
      %dma_wait3A_742 = arith.constant 0 : i32
      %dma_wait3A_743 = tpu.memref_slice %dma_wait3A_740[%dma_wait3A_741, %dma_wait3A_742] : memref<64x128xf32, #tpu.memory_space<vmem>> -> memref<50x128xf32, #tpu.memory_space<vmem>>
      %dma_wait3A_744 = arith.constant 0 : i32
      %dma_wait3A_745 = tpu.memref_slice %arg6[%dma_wait3A_734, %dma_wait3A_744] : memref<2x64xi32, #tpu.memory_space<vmem>> -> memref<1x64xi32, #tpu.memory_space<vmem>>
      %dma_wait3A_746 = tpu.memref_squeeze %dma_wait3A_745 : memref<1x64xi32, #tpu.memory_space<vmem>> -> memref<64xi32, #tpu.memory_space<vmem>>
      %dma_wait3A_747 = arith.constant 0 : i32
      %dma_wait3A_748 = tpu.memref_slice %dma_wait3A_746[%dma_wait3A_747] : memref<64xi32, #tpu.memory_space<vmem>> -> memref<50xi32, #tpu.memory_space<vmem>>
      %dma_wait3A_749 = arith.constant 0 : i32
      %dma_wait3A_750 = arith.constant 0 : i32
      %dma_wait3A_751 = tpu.memref_slice %arg9[%dma_wait3A_749, %dma_wait3A_750] : memref<1001x128xf32, #tpu.memory_space<vmem_shared>> -> memref<1001x128xf32, #tpu.memory_space<vmem_shared>>
      %dma_wait3A_752 = tpu.memref_slice %arg10[%dma_wait3A_736] : memref<2x!tpu.dma_semaphore, #tpu.memory_space<semaphore_mem>> -> memref<1x!tpu.dma_semaphore, #tpu.memory_space<semaphore_mem>>
      %dma_wait3A_753 = tpu.memref_squeeze %dma_wait3A_752 : memref<1x!tpu.dma_semaphore, #tpu.memory_space<semaphore_mem>> -> memref<!tpu.dma_semaphore, #tpu.memory_space<semaphore_mem>>
      tpu.wait_indirect_dma semaphore(%dma_wait3A_753 : memref<!tpu.dma_semaphore, #tpu.memory_space<semaphore_mem>>) src(%dma_wait3A_751 : memref<1001x128xf32, #tpu.memory_space<vmem_shared>>) dst(%dma_wait3A_743 : memref<50x128xf32, #tpu.memory_space<vmem>>)
      %add3A_754 = arith.addi %mul3A_2, %add3A_93 : i32
      %mul3A_755 = arith.constant 256 : i32
      %mul3A_756 = arith.muli %add3A_754, %mul3A_755 : i32
      %broadcast_in_dim3A_757 = vector.broadcast %mul3A_756 : i32 to vector<16xi32>
      %add3A_758 = arith.constant 0 : i32
      %add3A_759 = vector.broadcast %add3A_758 : i32 to vector<16xi32>
      %add3A_760 = arith.addi %iota3A, %add3A_759 : vector<16xi32>
      %lt3A_761 = arith.constant 50 : i32
      %lt3A_762 = vector.broadcast %lt3A_761 : i32 to vector<16xi32>
      %lt3A_763 = arith.cmpi slt, %add3A_760, %lt3A_762 : vector<16xi32>
      %mul3A_764 = arith.constant 4 : i32
      %mul3A_765 = vector.broadcast %mul3A_764 : i32 to vector<16xi32>
      %mul3A_766 = arith.muli %mul3A_765, %add3A_760 : vector<16xi32>
      %add3A_767 = arith.constant 0 : i32
      %add3A_768 = vector.broadcast %add3A_767 : i32 to vector<16xi32>
      %add3A_769 = arith.addi %mul3A_766, %add3A_768 : vector<16xi32>
      %sub3A_770 = arith.constant 50 : i32
      %sub3A_771 = vector.broadcast %sub3A_770 : i32 to vector<16xi32>
      %sub3A_772 = arith.subi %add3A_760, %sub3A_771 : vector<16xi32>
      %add3A_773 = arith.constant 200 : i32
      %add3A_774 = vector.broadcast %add3A_773 : i32 to vector<16xi32>
      %add3A_775 = arith.addi %add3A_774, %sub3A_772 : vector<16xi32>
      %select_n3A_776 = arith.select %lt3A_763, %add3A_769, %add3A_775 : vector<16xi1>, vector<16xi32>
      %add3A_777 = arith.addi %broadcast_in_dim3A_757, %select_n3A_776 : vector<16xi32>
      %swap3A_778 = arith.constant 1 : i32
      %swap3A_779 = arith.constant 0 : i32
      %swap3A_780 = arith.index_cast %swap3A_778 : i32 to index
      %swap3A_781 = arith.index_cast %swap3A_779 : i32 to index
      %swap3A_782 = arith.constant 0 : index
      %swap3A_783 = tpu.vector_load %arg7[%swap3A_780, %swap3A_781, %swap3A_782] {strides = array<i32>} : memref<2x4x64xi32, #tpu.memory_space<vmem>>, vector<16xi32>,
      tpu.vector_store %arg7[%swap3A_780, %swap3A_781, %swap3A_782], %add3A_777 {strides = array<i32>} : memref<2x4x64xi32, #tpu.memory_space<vmem>>, vector<16xi32>,
      %add3A_784 = arith.constant 16 : i32
      %add3A_785 = vector.broadcast %add3A_784 : i32 to vector<16xi32>
      %add3A_786 = arith.addi %iota3A, %add3A_785 : vector<16xi32>
      %lt3A_787 = arith.constant 50 : i32
      %lt3A_788 = vector.broadcast %lt3A_787 : i32 to vector<16xi32>
      %lt3A_789 = arith.cmpi slt, %add3A_786, %lt3A_788 : vector<16xi32>
      %mul3A_790 = arith.constant 4 : i32
      %mul3A_791 = vector.broadcast %mul3A_790 : i32 to vector<16xi32>
      %mul3A_792 = arith.muli %mul3A_791, %add3A_786 : vector<16xi32>
      %add3A_793 = arith.constant 0 : i32
      %add3A_794 = vector.broadcast %add3A_793 : i32 to vector<16xi32>
      %add3A_795 = arith.addi %mul3A_792, %add3A_794 : vector<16xi32>
      %sub3A_796 = arith.constant 50 : i32
      %sub3A_797 = vector.broadcast %sub3A_796 : i32 to vector<16xi32>
      %sub3A_798 = arith.subi %add3A_786, %sub3A_797 : vector<16xi32>
      %add3A_799 = arith.constant 200 : i32
      %add3A_800 = vector.broadcast %add3A_799 : i32 to vector<16xi32>
      %add3A_801 = arith.addi %add3A_800, %sub3A_798 : vector<16xi32>
      %select_n3A_802 = arith.select %lt3A_789, %add3A_795, %add3A_801 : vector<16xi1>, vector<16xi32>
      %add3A_803 = arith.addi %broadcast_in_dim3A_757, %select_n3A_802 : vector<16xi32>
      %swap3A_804 = arith.constant 1 : i32
      %swap3A_805 = arith.constant 0 : i32
      %swap3A_806 = arith.index_cast %swap3A_804 : i32 to index
      %swap3A_807 = arith.index_cast %swap3A_805 : i32 to index
      %swap3A_808 = arith.constant 16 : index
      %swap3A_809 = tpu.vector_load %arg7[%swap3A_806, %swap3A_807, %swap3A_808] {strides = array<i32>} : memref<2x4x64xi32, #tpu.memory_space<vmem>>, vector<16xi32>,
      tpu.vector_store %arg7[%swap3A_806, %swap3A_807, %swap3A_808], %add3A_803 {strides = array<i32>} : memref<2x4x64xi32, #tpu.memory_space<vmem>>, vector<16xi32>,
      %add3A_810 = arith.constant 32 : i32
      %add3A_811 = vector.broadcast %add3A_810 : i32 to vector<16xi32>
      %add3A_812 = arith.addi %iota3A, %add3A_811 : vector<16xi32>
      %lt3A_813 = arith.constant 50 : i32
      %lt3A_814 = vector.broadcast %lt3A_813 : i32 to vector<16xi32>
      %lt3A_815 = arith.cmpi slt, %add3A_812, %lt3A_814 : vector<16xi32>
      %mul3A_816 = arith.constant 4 : i32
      %mul3A_817 = vector.broadcast %mul3A_816 : i32 to vector<16xi32>
      %mul3A_818 = arith.muli %mul3A_817, %add3A_812 : vector<16xi32>
      %add3A_819 = arith.constant 0 : i32
      %add3A_820 = vector.broadcast %add3A_819 : i32 to vector<16xi32>
      %add3A_821 = arith.addi %mul3A_818, %add3A_820 : vector<16xi32>
      %sub3A_822 = arith.constant 50 : i32
      %sub3A_823 = vector.broadcast %sub3A_822 : i32 to vector<16xi32>
      %sub3A_824 = arith.subi %add3A_812, %sub3A_823 : vector<16xi32>
      %add3A_825 = arith.constant 200 : i32
      %add3A_826 = vector.broadcast %add3A_825 : i32 to vector<16xi32>
      %add3A_827 = arith.addi %add3A_826, %sub3A_824 : vector<16xi32>
      %select_n3A_828 = arith.select %lt3A_815, %add3A_821, %add3A_827 : vector<16xi1>, vector<16xi32>
      %add3A_829 = arith.addi %broadcast_in_dim3A_757, %select_n3A_828 : vector<16xi32>
      %swap3A_830 = arith.constant 1 : i32
      %swap3A_831 = arith.constant 0 : i32
      %swap3A_832 = arith.index_cast %swap3A_830 : i32 to index
      %swap3A_833 = arith.index_cast %swap3A_831 : i32 to index
      %swap3A_834 = arith.constant 32 : index
      %swap3A_835 = tpu.vector_load %arg7[%swap3A_832, %swap3A_833, %swap3A_834] {strides = array<i32>} : memref<2x4x64xi32, #tpu.memory_space<vmem>>, vector<16xi32>,
      tpu.vector_store %arg7[%swap3A_832, %swap3A_833, %swap3A_834], %add3A_829 {strides = array<i32>} : memref<2x4x64xi32, #tpu.memory_space<vmem>>, vector<16xi32>,
      %add3A_836 = arith.constant 48 : i32
      %add3A_837 = vector.broadcast %add3A_836 : i32 to vector<16xi32>
      %add3A_838 = arith.addi %iota3A, %add3A_837 : vector<16xi32>
      %lt3A_839 = arith.constant 50 : i32
      %lt3A_840 = vector.broadcast %lt3A_839 : i32 to vector<16xi32>
      %lt3A_841 = arith.cmpi slt, %add3A_838, %lt3A_840 : vector<16xi32>
      %mul3A_842 = arith.constant 4 : i32
      %mul3A_843 = vector.broadcast %mul3A_842 : i32 to vector<16xi32>
      %mul3A_844 = arith.muli %mul3A_843, %add3A_838 : vector<16xi32>
      %add3A_845 = arith.constant 0 : i32
      %add3A_846 = vector.broadcast %add3A_845 : i32 to vector<16xi32>
      %add3A_847 = arith.addi %mul3A_844, %add3A_846 : vector<16xi32>
      %sub3A_848 = arith.constant 50 : i32
      %sub3A_849 = vector.broadcast %sub3A_848 : i32 to vector<16xi32>
      %sub3A_850 = arith.subi %add3A_838, %sub3A_849 : vector<16xi32>
      %add3A_851 = arith.constant 200 : i32
      %add3A_852 = vector.broadcast %add3A_851 : i32 to vector<16xi32>
      %add3A_853 = arith.addi %add3A_852, %sub3A_850 : vector<16xi32>
      %select_n3A_854 = arith.select %lt3A_841, %add3A_847, %add3A_853 : vector<16xi1>, vector<16xi32>
      %add3A_855 = arith.addi %broadcast_in_dim3A_757, %select_n3A_854 : vector<16xi32>
      %swap3A_856 = arith.constant 1 : i32
      %swap3A_857 = arith.constant 0 : i32
      %swap3A_858 = arith.index_cast %swap3A_856 : i32 to index
      %swap3A_859 = arith.index_cast %swap3A_857 : i32 to index
      %swap3A_860 = arith.constant 48 : index
      %swap3A_861 = tpu.vector_load %arg7[%swap3A_858, %swap3A_859, %swap3A_860] {strides = array<i32>} : memref<2x4x64xi32, #tpu.memory_space<vmem>>, vector<16xi32>,
      tpu.vector_store %arg7[%swap3A_858, %swap3A_859, %swap3A_860], %add3A_855 {strides = array<i32>} : memref<2x4x64xi32, #tpu.memory_space<vmem>>, vector<16xi32>,
      %add3A_862 = arith.constant 0 : i32
      %add3A_863 = vector.broadcast %add3A_862 : i32 to vector<16xi32>
      %add3A_864 = arith.addi %iota3A, %add3A_863 : vector<16xi32>
      %lt3A_865 = arith.constant 50 : i32
      %lt3A_866 = vector.broadcast %lt3A_865 : i32 to vector<16xi32>
      %lt3A_867 = arith.cmpi slt, %add3A_864, %lt3A_866 : vector<16xi32>
      %mul3A_868 = arith.constant 4 : i32
      %mul3A_869 = vector.broadcast %mul3A_868 : i32 to vector<16xi32>
      %mul3A_870 = arith.muli %mul3A_869, %add3A_864 : vector<16xi32>
      %add3A_871 = arith.constant 1 : i32
      %add3A_872 = vector.broadcast %add3A_871 : i32 to vector<16xi32>
      %add3A_873 = arith.addi %mul3A_870, %add3A_872 : vector<16xi32>
      %sub3A_874 = arith.constant 50 : i32
      %sub3A_875 = vector.broadcast %sub3A_874 : i32 to vector<16xi32>
      %sub3A_876 = arith.subi %add3A_864, %sub3A_875 : vector<16xi32>
      %add3A_877 = arith.constant 214 : i32
      %add3A_878 = vector.broadcast %add3A_877 : i32 to vector<16xi32>
      %add3A_879 = arith.addi %add3A_878, %sub3A_876 : vector<16xi32>
      %select_n3A_880 = arith.select %lt3A_867, %add3A_873, %add3A_879 : vector<16xi1>, vector<16xi32>
      %add3A_881 = arith.addi %broadcast_in_dim3A_757, %select_n3A_880 : vector<16xi32>
      %swap3A_882 = arith.constant 1 : i32
      %swap3A_883 = arith.constant 1 : i32
      %swap3A_884 = arith.index_cast %swap3A_882 : i32 to index
      %swap3A_885 = arith.index_cast %swap3A_883 : i32 to index
      %swap3A_886 = arith.constant 0 : index
      %swap3A_887 = tpu.vector_load %arg7[%swap3A_884, %swap3A_885, %swap3A_886] {strides = array<i32>} : memref<2x4x64xi32, #tpu.memory_space<vmem>>, vector<16xi32>,
      tpu.vector_store %arg7[%swap3A_884, %swap3A_885, %swap3A_886], %add3A_881 {strides = array<i32>} : memref<2x4x64xi32, #tpu.memory_space<vmem>>, vector<16xi32>,
      %add3A_888 = arith.constant 16 : i32
      %add3A_889 = vector.broadcast %add3A_888 : i32 to vector<16xi32>
      %add3A_890 = arith.addi %iota3A, %add3A_889 : vector<16xi32>
      %lt3A_891 = arith.constant 50 : i32
      %lt3A_892 = vector.broadcast %lt3A_891 : i32 to vector<16xi32>
      %lt3A_893 = arith.cmpi slt, %add3A_890, %lt3A_892 : vector<16xi32>
      %mul3A_894 = arith.constant 4 : i32
      %mul3A_895 = vector.broadcast %mul3A_894 : i32 to vector<16xi32>
      %mul3A_896 = arith.muli %mul3A_895, %add3A_890 : vector<16xi32>
      %add3A_897 = arith.constant 1 : i32
      %add3A_898 = vector.broadcast %add3A_897 : i32 to vector<16xi32>
      %add3A_899 = arith.addi %mul3A_896, %add3A_898 : vector<16xi32>
      %sub3A_900 = arith.constant 50 : i32
      %sub3A_901 = vector.broadcast %sub3A_900 : i32 to vector<16xi32>
      %sub3A_902 = arith.subi %add3A_890, %sub3A_901 : vector<16xi32>
      %add3A_903 = arith.constant 214 : i32
      %add3A_904 = vector.broadcast %add3A_903 : i32 to vector<16xi32>
      %add3A_905 = arith.addi %add3A_904, %sub3A_902 : vector<16xi32>
      %select_n3A_906 = arith.select %lt3A_893, %add3A_899, %add3A_905 : vector<16xi1>, vector<16xi32>
      %add3A_907 = arith.addi %broadcast_in_dim3A_757, %select_n3A_906 : vector<16xi32>
      %swap3A_908 = arith.constant 1 : i32
      %swap3A_909 = arith.constant 1 : i32
      %swap3A_910 = arith.index_cast %swap3A_908 : i32 to index
      %swap3A_911 = arith.index_cast %swap3A_909 : i32 to index
      %swap3A_912 = arith.constant 16 : index
      %swap3A_913 = tpu.vector_load %arg7[%swap3A_910, %swap3A_911, %swap3A_912] {strides = array<i32>} : memref<2x4x64xi32, #tpu.memory_space<vmem>>, vector<16xi32>,
      tpu.vector_store %arg7[%swap3A_910, %swap3A_911, %swap3A_912], %add3A_907 {strides = array<i32>} : memref<2x4x64xi32, #tpu.memory_space<vmem>>, vector<16xi32>,
      %add3A_914 = arith.constant 32 : i32
      %add3A_915 = vector.broadcast %add3A_914 : i32 to vector<16xi32>
      %add3A_916 = arith.addi %iota3A, %add3A_915 : vector<16xi32>
      %lt3A_917 = arith.constant 50 : i32
      %lt3A_918 = vector.broadcast %lt3A_917 : i32 to vector<16xi32>
      %lt3A_919 = arith.cmpi slt, %add3A_916, %lt3A_918 : vector<16xi32>
      %mul3A_920 = arith.constant 4 : i32
      %mul3A_921 = vector.broadcast %mul3A_920 : i32 to vector<16xi32>
      %mul3A_922 = arith.muli %mul3A_921, %add3A_916 : vector<16xi32>
      %add3A_923 = arith.constant 1 : i32
      %add3A_924 = vector.broadcast %add3A_923 : i32 to vector<16xi32>
      %add3A_925 = arith.addi %mul3A_922, %add3A_924 : vector<16xi32>
      %sub3A_926 = arith.constant 50 : i32
      %sub3A_927 = vector.broadcast %sub3A_926 : i32 to vector<16xi32>
      %sub3A_928 = arith.subi %add3A_916, %sub3A_927 : vector<16xi32>
      %add3A_929 = arith.constant 214 : i32
      %add3A_930 = vector.broadcast %add3A_929 : i32 to vector<16xi32>
      %add3A_931 = arith.addi %add3A_930, %sub3A_928 : vector<16xi32>
      %select_n3A_932 = arith.select %lt3A_919, %add3A_925, %add3A_931 : vector<16xi1>, vector<16xi32>
      %add3A_933 = arith.addi %broadcast_in_dim3A_757, %select_n3A_932 : vector<16xi32>
      %swap3A_934 = arith.constant 1 : i32
      %swap3A_935 = arith.constant 1 : i32
      %swap3A_936 = arith.index_cast %swap3A_934 : i32 to index
      %swap3A_937 = arith.index_cast %swap3A_935 : i32 to index
      %swap3A_938 = arith.constant 32 : index
      %swap3A_939 = tpu.vector_load %arg7[%swap3A_936, %swap3A_937, %swap3A_938] {strides = array<i32>} : memref<2x4x64xi32, #tpu.memory_space<vmem>>, vector<16xi32>,
      tpu.vector_store %arg7[%swap3A_936, %swap3A_937, %swap3A_938], %add3A_933 {strides = array<i32>} : memref<2x4x64xi32, #tpu.memory_space<vmem>>, vector<16xi32>,
      %add3A_940 = arith.constant 48 : i32
      %add3A_941 = vector.broadcast %add3A_940 : i32 to vector<16xi32>
      %add3A_942 = arith.addi %iota3A, %add3A_941 : vector<16xi32>
      %lt3A_943 = arith.constant 50 : i32
      %lt3A_944 = vector.broadcast %lt3A_943 : i32 to vector<16xi32>
      %lt3A_945 = arith.cmpi slt, %add3A_942, %lt3A_944 : vector<16xi32>
      %mul3A_946 = arith.constant 4 : i32
      %mul3A_947 = vector.broadcast %mul3A_946 : i32 to vector<16xi32>
      %mul3A_948 = arith.muli %mul3A_947, %add3A_942 : vector<16xi32>
      %add3A_949 = arith.constant 1 : i32
      %add3A_950 = vector.broadcast %add3A_949 : i32 to vector<16xi32>
      %add3A_951 = arith.addi %mul3A_948, %add3A_950 : vector<16xi32>
      %sub3A_952 = arith.constant 50 : i32
      %sub3A_953 = vector.broadcast %sub3A_952 : i32 to vector<16xi32>
      %sub3A_954 = arith.subi %add3A_942, %sub3A_953 : vector<16xi32>
      %add3A_955 = arith.constant 214 : i32
      %add3A_956 = vector.broadcast %add3A_955 : i32 to vector<16xi32>
      %add3A_957 = arith.addi %add3A_956, %sub3A_954 : vector<16xi32>
      %select_n3A_958 = arith.select %lt3A_945, %add3A_951, %add3A_957 : vector<16xi1>, vector<16xi32>
      %add3A_959 = arith.addi %broadcast_in_dim3A_757, %select_n3A_958 : vector<16xi32>
      %swap3A_960 = arith.constant 1 : i32
      %swap3A_961 = arith.constant 1 : i32
      %swap3A_962 = arith.index_cast %swap3A_960 : i32 to index
      %swap3A_963 = arith.index_cast %swap3A_961 : i32 to index
      %swap3A_964 = arith.constant 48 : index
      %swap3A_965 = tpu.vector_load %arg7[%swap3A_962, %swap3A_963, %swap3A_964] {strides = array<i32>} : memref<2x4x64xi32, #tpu.memory_space<vmem>>, vector<16xi32>,
      tpu.vector_store %arg7[%swap3A_962, %swap3A_963, %swap3A_964], %add3A_959 {strides = array<i32>} : memref<2x4x64xi32, #tpu.memory_space<vmem>>, vector<16xi32>,
      %add3A_966 = arith.constant 0 : i32
      %add3A_967 = vector.broadcast %add3A_966 : i32 to vector<16xi32>
      %add3A_968 = arith.addi %iota3A, %add3A_967 : vector<16xi32>
      %lt3A_969 = arith.constant 50 : i32
      %lt3A_970 = vector.broadcast %lt3A_969 : i32 to vector<16xi32>
      %lt3A_971 = arith.cmpi slt, %add3A_968, %lt3A_970 : vector<16xi32>
      %mul3A_972 = arith.constant 4 : i32
      %mul3A_973 = vector.broadcast %mul3A_972 : i32 to vector<16xi32>
      %mul3A_974 = arith.muli %mul3A_973, %add3A_968 : vector<16xi32>
      %add3A_975 = arith.constant 2 : i32
      %add3A_976 = vector.broadcast %add3A_975 : i32 to vector<16xi32>
      %add3A_977 = arith.addi %mul3A_974, %add3A_976 : vector<16xi32>
      %sub3A_978 = arith.constant 50 : i32
      %sub3A_979 = vector.broadcast %sub3A_978 : i32 to vector<16xi32>
      %sub3A_980 = arith.subi %add3A_968, %sub3A_979 : vector<16xi32>
      %add3A_981 = arith.constant 228 : i32
      %add3A_982 = vector.broadcast %add3A_981 : i32 to vector<16xi32>
      %add3A_983 = arith.addi %add3A_982, %sub3A_980 : vector<16xi32>
      %select_n3A_984 = arith.select %lt3A_971, %add3A_977, %add3A_983 : vector<16xi1>, vector<16xi32>
      %add3A_985 = arith.addi %broadcast_in_dim3A_757, %select_n3A_984 : vector<16xi32>
      %swap3A_986 = arith.constant 1 : i32
      %swap3A_987 = arith.constant 2 : i32
      %swap3A_988 = arith.index_cast %swap3A_986 : i32 to index
      %swap3A_989 = arith.index_cast %swap3A_987 : i32 to index
      %swap3A_990 = arith.constant 0 : index
      %swap3A_991 = tpu.vector_load %arg7[%swap3A_988, %swap3A_989, %swap3A_990] {strides = array<i32>} : memref<2x4x64xi32, #tpu.memory_space<vmem>>, vector<16xi32>,
      tpu.vector_store %arg7[%swap3A_988, %swap3A_989, %swap3A_990], %add3A_985 {strides = array<i32>} : memref<2x4x64xi32, #tpu.memory_space<vmem>>, vector<16xi32>,
      %add3A_992 = arith.constant 16 : i32
      %add3A_993 = vector.broadcast %add3A_992 : i32 to vector<16xi32>
      %add3A_994 = arith.addi %iota3A, %add3A_993 : vector<16xi32>
      %lt3A_995 = arith.constant 50 : i32
      %lt3A_996 = vector.broadcast %lt3A_995 : i32 to vector<16xi32>
      %lt3A_997 = arith.cmpi slt, %add3A_994, %lt3A_996 : vector<16xi32>
      %mul3A_998 = arith.constant 4 : i32
      %mul3A_999 = vector.broadcast %mul3A_998 : i32 to vector<16xi32>
      %mul3A_1000 = arith.muli %mul3A_999, %add3A_994 : vector<16xi32>
      %add3A_1001 = arith.constant 2 : i32
      %add3A_1002 = vector.broadcast %add3A_1001 : i32 to vector<16xi32>
      %add3A_1003 = arith.addi %mul3A_1000, %add3A_1002 : vector<16xi32>
      %sub3A_1004 = arith.constant 50 : i32
      %sub3A_1005 = vector.broadcast %sub3A_1004 : i32 to vector<16xi32>
      %sub3A_1006 = arith.subi %add3A_994, %sub3A_1005 : vector<16xi32>
      %add3A_1007 = arith.constant 228 : i32
      %add3A_1008 = vector.broadcast %add3A_1007 : i32 to vector<16xi32>
      %add3A_1009 = arith.addi %add3A_1008, %sub3A_1006 : vector<16xi32>
      %select_n3A_1010 = arith.select %lt3A_997, %add3A_1003, %add3A_1009 : vector<16xi1>, vector<16xi32>
      %add3A_1011 = arith.addi %broadcast_in_dim3A_757, %select_n3A_1010 : vector<16xi32>
      %swap3A_1012 = arith.constant 1 : i32
      %swap3A_1013 = arith.constant 2 : i32
      %swap3A_1014 = arith.index_cast %swap3A_1012 : i32 to index
      %swap3A_1015 = arith.index_cast %swap3A_1013 : i32 to index
      %swap3A_1016 = arith.constant 16 : index
      %swap3A_1017 = tpu.vector_load %arg7[%swap3A_1014, %swap3A_1015, %swap3A_1016] {strides = array<i32>} : memref<2x4x64xi32, #tpu.memory_space<vmem>>, vector<16xi32>,
      tpu.vector_store %arg7[%swap3A_1014, %swap3A_1015, %swap3A_1016], %add3A_1011 {strides = array<i32>} : memref<2x4x64xi32, #tpu.memory_space<vmem>>, vector<16xi32>,
      %add3A_1018 = arith.constant 32 : i32
      %add3A_1019 = vector.broadcast %add3A_1018 : i32 to vector<16xi32>
      %add3A_1020 = arith.addi %iota3A, %add3A_1019 : vector<16xi32>
      %lt3A_1021 = arith.constant 50 : i32
      %lt3A_1022 = vector.broadcast %lt3A_1021 : i32 to vector<16xi32>
      %lt3A_1023 = arith.cmpi slt, %add3A_1020, %lt3A_1022 : vector<16xi32>
      %mul3A_1024 = arith.constant 4 : i32
      %mul3A_1025 = vector.broadcast %mul3A_1024 : i32 to vector<16xi32>
      %mul3A_1026 = arith.muli %mul3A_1025, %add3A_1020 : vector<16xi32>
      %add3A_1027 = arith.constant 2 : i32
      %add3A_1028 = vector.broadcast %add3A_1027 : i32 to vector<16xi32>
      %add3A_1029 = arith.addi %mul3A_1026, %add3A_1028 : vector<16xi32>
      %sub3A_1030 = arith.constant 50 : i32
      %sub3A_1031 = vector.broadcast %sub3A_1030 : i32 to vector<16xi32>
      %sub3A_1032 = arith.subi %add3A_1020, %sub3A_1031 : vector<16xi32>
      %add3A_1033 = arith.constant 228 : i32
      %add3A_1034 = vector.broadcast %add3A_1033 : i32 to vector<16xi32>
      %add3A_1035 = arith.addi %add3A_1034, %sub3A_1032 : vector<16xi32>
      %select_n3A_1036 = arith.select %lt3A_1023, %add3A_1029, %add3A_1035 : vector<16xi1>, vector<16xi32>
      %add3A_1037 = arith.addi %broadcast_in_dim3A_757, %select_n3A_1036 : vector<16xi32>
      %swap3A_1038 = arith.constant 1 : i32
      %swap3A_1039 = arith.constant 2 : i32
      %swap3A_1040 = arith.index_cast %swap3A_1038 : i32 to index
      %swap3A_1041 = arith.index_cast %swap3A_1039 : i32 to index
      %swap3A_1042 = arith.constant 32 : index
      %swap3A_1043 = tpu.vector_load %arg7[%swap3A_1040, %swap3A_1041, %swap3A_1042] {strides = array<i32>} : memref<2x4x64xi32, #tpu.memory_space<vmem>>, vector<16xi32>,
      tpu.vector_store %arg7[%swap3A_1040, %swap3A_1041, %swap3A_1042], %add3A_1037 {strides = array<i32>} : memref<2x4x64xi32, #tpu.memory_space<vmem>>, vector<16xi32>,
      %add3A_1044 = arith.constant 48 : i32
      %add3A_1045 = vector.broadcast %add3A_1044 : i32 to vector<16xi32>
      %add3A_1046 = arith.addi %iota3A, %add3A_1045 : vector<16xi32>
      %lt3A_1047 = arith.constant 50 : i32
      %lt3A_1048 = vector.broadcast %lt3A_1047 : i32 to vector<16xi32>
      %lt3A_1049 = arith.cmpi slt, %add3A_1046, %lt3A_1048 : vector<16xi32>
      %mul3A_1050 = arith.constant 4 : i32
      %mul3A_1051 = vector.broadcast %mul3A_1050 : i32 to vector<16xi32>
      %mul3A_1052 = arith.muli %mul3A_1051, %add3A_1046 : vector<16xi32>
      %add3A_1053 = arith.constant 2 : i32
      %add3A_1054 = vector.broadcast %add3A_1053 : i32 to vector<16xi32>
      %add3A_1055 = arith.addi %mul3A_1052, %add3A_1054 : vector<16xi32>
      %sub3A_1056 = arith.constant 50 : i32
      %sub3A_1057 = vector.broadcast %sub3A_1056 : i32 to vector<16xi32>
      %sub3A_1058 = arith.subi %add3A_1046, %sub3A_1057 : vector<16xi32>
      %add3A_1059 = arith.constant 228 : i32
      %add3A_1060 = vector.broadcast %add3A_1059 : i32 to vector<16xi32>
      %add3A_1061 = arith.addi %add3A_1060, %sub3A_1058 : vector<16xi32>
      %select_n3A_1062 = arith.select %lt3A_1049, %add3A_1055, %add3A_1061 : vector<16xi1>, vector<16xi32>
      %add3A_1063 = arith.addi %broadcast_in_dim3A_757, %select_n3A_1062 : vector<16xi32>
      %swap3A_1064 = arith.constant 1 : i32
      %swap3A_1065 = arith.constant 2 : i32
      %swap3A_1066 = arith.index_cast %swap3A_1064 : i32 to index
      %swap3A_1067 = arith.index_cast %swap3A_1065 : i32 to index
      %swap3A_1068 = arith.constant 48 : index
      %swap3A_1069 = tpu.vector_load %arg7[%swap3A_1066, %swap3A_1067, %swap3A_1068] {strides = array<i32>} : memref<2x4x64xi32, #tpu.memory_space<vmem>>, vector<16xi32>,
      tpu.vector_store %arg7[%swap3A_1066, %swap3A_1067, %swap3A_1068], %add3A_1063 {strides = array<i32>} : memref<2x4x64xi32, #tpu.memory_space<vmem>>, vector<16xi32>,
      %add3A_1070 = arith.constant 0 : i32
      %add3A_1071 = vector.broadcast %add3A_1070 : i32 to vector<16xi32>
      %add3A_1072 = arith.addi %iota3A, %add3A_1071 : vector<16xi32>
      %lt3A_1073 = arith.constant 50 : i32
      %lt3A_1074 = vector.broadcast %lt3A_1073 : i32 to vector<16xi32>
      %lt3A_1075 = arith.cmpi slt, %add3A_1072, %lt3A_1074 : vector<16xi32>
      %mul3A_1076 = arith.constant 4 : i32
      %mul3A_1077 = vector.broadcast %mul3A_1076 : i32 to vector<16xi32>
      %mul3A_1078 = arith.muli %mul3A_1077, %add3A_1072 : vector<16xi32>
      %add3A_1079 = arith.constant 3 : i32
      %add3A_1080 = vector.broadcast %add3A_1079 : i32 to vector<16xi32>
      %add3A_1081 = arith.addi %mul3A_1078, %add3A_1080 : vector<16xi32>
      %sub3A_1082 = arith.constant 50 : i32
      %sub3A_1083 = vector.broadcast %sub3A_1082 : i32 to vector<16xi32>
      %sub3A_1084 = arith.subi %add3A_1072, %sub3A_1083 : vector<16xi32>
      %add3A_1085 = arith.constant 242 : i32
      %add3A_1086 = vector.broadcast %add3A_1085 : i32 to vector<16xi32>
      %add3A_1087 = arith.addi %add3A_1086, %sub3A_1084 : vector<16xi32>
      %select_n3A_1088 = arith.select %lt3A_1075, %add3A_1081, %add3A_1087 : vector<16xi1>, vector<16xi32>
      %add3A_1089 = arith.addi %broadcast_in_dim3A_757, %select_n3A_1088 : vector<16xi32>
      %swap3A_1090 = arith.constant 1 : i32
      %swap3A_1091 = arith.constant 3 : i32
      %swap3A_1092 = arith.index_cast %swap3A_1090 : i32 to index
      %swap3A_1093 = arith.index_cast %swap3A_1091 : i32 to index
      %swap3A_1094 = arith.constant 0 : index
      %swap3A_1095 = tpu.vector_load %arg7[%swap3A_1092, %swap3A_1093, %swap3A_1094] {strides = array<i32>} : memref<2x4x64xi32, #tpu.memory_space<vmem>>, vector<16xi32>,
      tpu.vector_store %arg7[%swap3A_1092, %swap3A_1093, %swap3A_1094], %add3A_1089 {strides = array<i32>} : memref<2x4x64xi32, #tpu.memory_space<vmem>>, vector<16xi32>,
      %add3A_1096 = arith.constant 16 : i32
      %add3A_1097 = vector.broadcast %add3A_1096 : i32 to vector<16xi32>
      %add3A_1098 = arith.addi %iota3A, %add3A_1097 : vector<16xi32>
      %lt3A_1099 = arith.constant 50 : i32
      %lt3A_1100 = vector.broadcast %lt3A_1099 : i32 to vector<16xi32>
      %lt3A_1101 = arith.cmpi slt, %add3A_1098, %lt3A_1100 : vector<16xi32>
      %mul3A_1102 = arith.constant 4 : i32
      %mul3A_1103 = vector.broadcast %mul3A_1102 : i32 to vector<16xi32>
      %mul3A_1104 = arith.muli %mul3A_1103, %add3A_1098 : vector<16xi32>
      %add3A_1105 = arith.constant 3 : i32
      %add3A_1106 = vector.broadcast %add3A_1105 : i32 to vector<16xi32>
      %add3A_1107 = arith.addi %mul3A_1104, %add3A_1106 : vector<16xi32>
      %sub3A_1108 = arith.constant 50 : i32
      %sub3A_1109 = vector.broadcast %sub3A_1108 : i32 to vector<16xi32>
      %sub3A_1110 = arith.subi %add3A_1098, %sub3A_1109 : vector<16xi32>
      %add3A_1111 = arith.constant 242 : i32
      %add3A_1112 = vector.broadcast %add3A_1111 : i32 to vector<16xi32>
      %add3A_1113 = arith.addi %add3A_1112, %sub3A_1110 : vector<16xi32>
      %select_n3A_1114 = arith.select %lt3A_1101, %add3A_1107, %add3A_1113 : vector<16xi1>, vector<16xi32>
      %add3A_1115 = arith.addi %broadcast_in_dim3A_757, %select_n3A_1114 : vector<16xi32>
      %swap3A_1116 = arith.constant 1 : i32
      %swap3A_1117 = arith.constant 3 : i32
      %swap3A_1118 = arith.index_cast %swap3A_1116 : i32 to index
      %swap3A_1119 = arith.index_cast %swap3A_1117 : i32 to index
      %swap3A_1120 = arith.constant 16 : index
      %swap3A_1121 = tpu.vector_load %arg7[%swap3A_1118, %swap3A_1119, %swap3A_1120] {strides = array<i32>} : memref<2x4x64xi32, #tpu.memory_space<vmem>>, vector<16xi32>,
      tpu.vector_store %arg7[%swap3A_1118, %swap3A_1119, %swap3A_1120], %add3A_1115 {strides = array<i32>} : memref<2x4x64xi32, #tpu.memory_space<vmem>>, vector<16xi32>,
      %add3A_1122 = arith.constant 32 : i32
      %add3A_1123 = vector.broadcast %add3A_1122 : i32 to vector<16xi32>
      %add3A_1124 = arith.addi %iota3A, %add3A_1123 : vector<16xi32>
      %lt3A_1125 = arith.constant 50 : i32
      %lt3A_1126 = vector.broadcast %lt3A_1125 : i32 to vector<16xi32>
      %lt3A_1127 = arith.cmpi slt, %add3A_1124, %lt3A_1126 : vector<16xi32>
      %mul3A_1128 = arith.constant 4 : i32
      %mul3A_1129 = vector.broadcast %mul3A_1128 : i32 to vector<16xi32>
      %mul3A_1130 = arith.muli %mul3A_1129, %add3A_1124 : vector<16xi32>
      %add3A_1131 = arith.constant 3 : i32
      %add3A_1132 = vector.broadcast %add3A_1131 : i32 to vector<16xi32>
      %add3A_1133 = arith.addi %mul3A_1130, %add3A_1132 : vector<16xi32>
      %sub3A_1134 = arith.constant 50 : i32
      %sub3A_1135 = vector.broadcast %sub3A_1134 : i32 to vector<16xi32>
      %sub3A_1136 = arith.subi %add3A_1124, %sub3A_1135 : vector<16xi32>
      %add3A_1137 = arith.constant 242 : i32
      %add3A_1138 = vector.broadcast %add3A_1137 : i32 to vector<16xi32>
      %add3A_1139 = arith.addi %add3A_1138, %sub3A_1136 : vector<16xi32>
      %select_n3A_1140 = arith.select %lt3A_1127, %add3A_1133, %add3A_1139 : vector<16xi1>, vector<16xi32>
      %add3A_1141 = arith.addi %broadcast_in_dim3A_757, %select_n3A_1140 : vector<16xi32>
      %swap3A_1142 = arith.constant 1 : i32
      %swap3A_1143 = arith.constant 3 : i32
      %swap3A_1144 = arith.index_cast %swap3A_1142 : i32 to index
      %swap3A_1145 = arith.index_cast %swap3A_1143 : i32 to index
      %swap3A_1146 = arith.constant 32 : index
      %swap3A_1147 = tpu.vector_load %arg7[%swap3A_1144, %swap3A_1145, %swap3A_1146] {strides = array<i32>} : memref<2x4x64xi32, #tpu.memory_space<vmem>>, vector<16xi32>,
      tpu.vector_store %arg7[%swap3A_1144, %swap3A_1145, %swap3A_1146], %add3A_1141 {strides = array<i32>} : memref<2x4x64xi32, #tpu.memory_space<vmem>>, vector<16xi32>,
      %add3A_1148 = arith.constant 48 : i32
      %add3A_1149 = vector.broadcast %add3A_1148 : i32 to vector<16xi32>
      %add3A_1150 = arith.addi %iota3A, %add3A_1149 : vector<16xi32>
      %lt3A_1151 = arith.constant 50 : i32
      %lt3A_1152 = vector.broadcast %lt3A_1151 : i32 to vector<16xi32>
      %lt3A_1153 = arith.cmpi slt, %add3A_1150, %lt3A_1152 : vector<16xi32>
      %mul3A_1154 = arith.constant 4 : i32
      %mul3A_1155 = vector.broadcast %mul3A_1154 : i32 to vector<16xi32>
      %mul3A_1156 = arith.muli %mul3A_1155, %add3A_1150 : vector<16xi32>
      %add3A_1157 = arith.constant 3 : i32
      %add3A_1158 = vector.broadcast %add3A_1157 : i32 to vector<16xi32>
      %add3A_1159 = arith.addi %mul3A_1156, %add3A_1158 : vector<16xi32>
      %sub3A_1160 = arith.constant 50 : i32
      %sub3A_1161 = vector.broadcast %sub3A_1160 : i32 to vector<16xi32>
      %sub3A_1162 = arith.subi %add3A_1150, %sub3A_1161 : vector<16xi32>
      %add3A_1163 = arith.constant 242 : i32
      %add3A_1164 = vector.broadcast %add3A_1163 : i32 to vector<16xi32>
      %add3A_1165 = arith.addi %add3A_1164, %sub3A_1162 : vector<16xi32>
      %select_n3A_1166 = arith.select %lt3A_1153, %add3A_1159, %add3A_1165 : vector<16xi1>, vector<16xi32>
      %add3A_1167 = arith.addi %broadcast_in_dim3A_757, %select_n3A_1166 : vector<16xi32>
      %swap3A_1168 = arith.constant 1 : i32
      %swap3A_1169 = arith.constant 3 : i32
      %swap3A_1170 = arith.index_cast %swap3A_1168 : i32 to index
      %swap3A_1171 = arith.index_cast %swap3A_1169 : i32 to index
      %swap3A_1172 = arith.constant 48 : index
      %swap3A_1173 = tpu.vector_load %arg7[%swap3A_1170, %swap3A_1171, %swap3A_1172] {strides = array<i32>} : memref<2x4x64xi32, #tpu.memory_space<vmem>>, vector<16xi32>,
      tpu.vector_store %arg7[%swap3A_1170, %swap3A_1171, %swap3A_1172], %add3A_1167 {strides = array<i32>} : memref<2x4x64xi32, #tpu.memory_space<vmem>>, vector<16xi32>,
      %dma_start3A_1174 = arith.constant 1 : i32
      %dma_start3A_1175 = arith.constant 1 : i32
      %dma_start3A_1176 = arith.constant 0 : i32
      %dma_start3A_1177 = arith.constant 1 : i32
      %dma_start3A_1178 = arith.constant 0 : i32
      %dma_start3A_1179 = arith.constant 0 : i32
      %dma_start3A_1180 = tpu.memref_slice %arg8[%dma_start3A_1174, %dma_start3A_1178, %dma_start3A_1179] : memref<2x64x128xf32, #tpu.memory_space<vmem>> -> memref<1x64x128xf32, #tpu.memory_space<vmem>>
      %dma_start3A_1181 = tpu.memref_squeeze %dma_start3A_1180 : memref<1x64x128xf32, #tpu.memory_space<vmem>> -> memref<64x128xf32, #tpu.memory_space<vmem>>
      %dma_start3A_1182 = arith.constant 0 : i32
      %dma_start3A_1183 = tpu.memref_slice %arg7[%dma_start3A_1175, %dma_start3A_1176, %dma_start3A_1182] : memref<2x4x64xi32, #tpu.memory_space<vmem>> -> memref<1x1x64xi32, #tpu.memory_space<vmem>>
      %dma_start3A_1184 = tpu.memref_squeeze %dma_start3A_1183 : memref<1x1x64xi32, #tpu.memory_space<vmem>> -> memref<64xi32, #tpu.memory_space<vmem>>
      %dma_start3A_1185 = arith.constant 0 : i32
      %dma_start3A_1186 = arith.constant 0 : i32
      %dma_start3A_1187 = tpu.memref_slice %arg4[%dma_start3A_1185, %dma_start3A_1186] : memref<262144x128xf32, #tpu.memory_space<hbm>> -> memref<262144x128xf32, #tpu.memory_space<hbm>>
      %dma_start3A_1188 = tpu.memref_slice %arg11[%dma_start3A_1177] : memref<2x!tpu.dma_semaphore, #tpu.memory_space<semaphore_mem>> -> memref<1x!tpu.dma_semaphore, #tpu.memory_space<semaphore_mem>>
      %dma_start3A_1189 = tpu.memref_squeeze %dma_start3A_1188 : memref<1x!tpu.dma_semaphore, #tpu.memory_space<semaphore_mem>> -> memref<!tpu.dma_semaphore, #tpu.memory_space<semaphore_mem>>
      tpu.enqueue_indirect_dma source(%dma_start3A_1181 : memref<64x128xf32, #tpu.memory_space<vmem>>) target(%dma_start3A_1187 : memref<262144x128xf32, #tpu.memory_space<hbm>>) offsets(%dma_start3A_1184 : memref<64xi32, #tpu.memory_space<vmem>>) semaphore(%dma_start3A_1189 : memref<!tpu.dma_semaphore, #tpu.memory_space<semaphore_mem>>)
      %dma_start3A_1190 = arith.constant 1 : i32
      %dma_start3A_1191 = arith.constant 1 : i32
      %dma_start3A_1192 = arith.constant 1 : i32
      %dma_start3A_1193 = arith.constant 1 : i32
      %dma_start3A_1194 = arith.constant 0 : i32
      %dma_start3A_1195 = arith.constant 0 : i32
      %dma_start3A_1196 = tpu.memref_slice %arg8[%dma_start3A_1190, %dma_start3A_1194, %dma_start3A_1195] : memref<2x64x128xf32, #tpu.memory_space<vmem>> -> memref<1x64x128xf32, #tpu.memory_space<vmem>>
      %dma_start3A_1197 = tpu.memref_squeeze %dma_start3A_1196 : memref<1x64x128xf32, #tpu.memory_space<vmem>> -> memref<64x128xf32, #tpu.memory_space<vmem>>
      %dma_start3A_1198 = arith.constant 0 : i32
      %dma_start3A_1199 = tpu.memref_slice %arg7[%dma_start3A_1191, %dma_start3A_1192, %dma_start3A_1198] : memref<2x4x64xi32, #tpu.memory_space<vmem>> -> memref<1x1x64xi32, #tpu.memory_space<vmem>>
      %dma_start3A_1200 = tpu.memref_squeeze %dma_start3A_1199 : memref<1x1x64xi32, #tpu.memory_space<vmem>> -> memref<64xi32, #tpu.memory_space<vmem>>
      %dma_start3A_1201 = arith.constant 0 : i32
      %dma_start3A_1202 = arith.constant 0 : i32
      %dma_start3A_1203 = tpu.memref_slice %arg4[%dma_start3A_1201, %dma_start3A_1202] : memref<262144x128xf32, #tpu.memory_space<hbm>> -> memref<262144x128xf32, #tpu.memory_space<hbm>>
      %dma_start3A_1204 = tpu.memref_slice %arg11[%dma_start3A_1193] : memref<2x!tpu.dma_semaphore, #tpu.memory_space<semaphore_mem>> -> memref<1x!tpu.dma_semaphore, #tpu.memory_space<semaphore_mem>>
      %dma_start3A_1205 = tpu.memref_squeeze %dma_start3A_1204 : memref<1x!tpu.dma_semaphore, #tpu.memory_space<semaphore_mem>> -> memref<!tpu.dma_semaphore, #tpu.memory_space<semaphore_mem>>
      tpu.enqueue_indirect_dma source(%dma_start3A_1197 : memref<64x128xf32, #tpu.memory_space<vmem>>) target(%dma_start3A_1203 : memref<262144x128xf32, #tpu.memory_space<hbm>>) offsets(%dma_start3A_1200 : memref<64xi32, #tpu.memory_space<vmem>>) semaphore(%dma_start3A_1205 : memref<!tpu.dma_semaphore, #tpu.memory_space<semaphore_mem>>)
      %dma_start3A_1206 = arith.constant 1 : i32
      %dma_start3A_1207 = arith.constant 1 : i32
      %dma_start3A_1208 = arith.constant 2 : i32
      %dma_start3A_1209 = arith.constant 1 : i32
      %dma_start3A_1210 = arith.constant 0 : i32
      %dma_start3A_1211 = arith.constant 0 : i32
      %dma_start3A_1212 = tpu.memref_slice %arg8[%dma_start3A_1206, %dma_start3A_1210, %dma_start3A_1211] : memref<2x64x128xf32, #tpu.memory_space<vmem>> -> memref<1x64x128xf32, #tpu.memory_space<vmem>>
      %dma_start3A_1213 = tpu.memref_squeeze %dma_start3A_1212 : memref<1x64x128xf32, #tpu.memory_space<vmem>> -> memref<64x128xf32, #tpu.memory_space<vmem>>
      %dma_start3A_1214 = arith.constant 0 : i32
      %dma_start3A_1215 = tpu.memref_slice %arg7[%dma_start3A_1207, %dma_start3A_1208, %dma_start3A_1214] : memref<2x4x64xi32, #tpu.memory_space<vmem>> -> memref<1x1x64xi32, #tpu.memory_space<vmem>>
      %dma_start3A_1216 = tpu.memref_squeeze %dma_start3A_1215 : memref<1x1x64xi32, #tpu.memory_space<vmem>> -> memref<64xi32, #tpu.memory_space<vmem>>
      %dma_start3A_1217 = arith.constant 0 : i32
      %dma_start3A_1218 = arith.constant 0 : i32
      %dma_start3A_1219 = tpu.memref_slice %arg4[%dma_start3A_1217, %dma_start3A_1218] : memref<262144x128xf32, #tpu.memory_space<hbm>> -> memref<262144x128xf32, #tpu.memory_space<hbm>>
      %dma_start3A_1220 = tpu.memref_slice %arg11[%dma_start3A_1209] : memref<2x!tpu.dma_semaphore, #tpu.memory_space<semaphore_mem>> -> memref<1x!tpu.dma_semaphore, #tpu.memory_space<semaphore_mem>>
      %dma_start3A_1221 = tpu.memref_squeeze %dma_start3A_1220 : memref<1x!tpu.dma_semaphore, #tpu.memory_space<semaphore_mem>> -> memref<!tpu.dma_semaphore, #tpu.memory_space<semaphore_mem>>
      tpu.enqueue_indirect_dma source(%dma_start3A_1213 : memref<64x128xf32, #tpu.memory_space<vmem>>) target(%dma_start3A_1219 : memref<262144x128xf32, #tpu.memory_space<hbm>>) offsets(%dma_start3A_1216 : memref<64xi32, #tpu.memory_space<vmem>>) semaphore(%dma_start3A_1221 : memref<!tpu.dma_semaphore, #tpu.memory_space<semaphore_mem>>)
      %dma_start3A_1222 = arith.constant 1 : i32
      %dma_start3A_1223 = arith.constant 1 : i32
      %dma_start3A_1224 = arith.constant 3 : i32
      %dma_start3A_1225 = arith.constant 1 : i32
      %dma_start3A_1226 = arith.constant 0 : i32
      %dma_start3A_1227 = arith.constant 0 : i32
      %dma_start3A_1228 = tpu.memref_slice %arg8[%dma_start3A_1222, %dma_start3A_1226, %dma_start3A_1227] : memref<2x64x128xf32, #tpu.memory_space<vmem>> -> memref<1x64x128xf32, #tpu.memory_space<vmem>>
      %dma_start3A_1229 = tpu.memref_squeeze %dma_start3A_1228 : memref<1x64x128xf32, #tpu.memory_space<vmem>> -> memref<64x128xf32, #tpu.memory_space<vmem>>
      %dma_start3A_1230 = arith.constant 0 : i32
      %dma_start3A_1231 = tpu.memref_slice %arg7[%dma_start3A_1223, %dma_start3A_1224, %dma_start3A_1230] : memref<2x4x64xi32, #tpu.memory_space<vmem>> -> memref<1x1x64xi32, #tpu.memory_space<vmem>>
      %dma_start3A_1232 = tpu.memref_squeeze %dma_start3A_1231 : memref<1x1x64xi32, #tpu.memory_space<vmem>> -> memref<64xi32, #tpu.memory_space<vmem>>
      %dma_start3A_1233 = arith.constant 0 : i32
      %dma_start3A_1234 = arith.constant 0 : i32
      %dma_start3A_1235 = tpu.memref_slice %arg4[%dma_start3A_1233, %dma_start3A_1234] : memref<262144x128xf32, #tpu.memory_space<hbm>> -> memref<262144x128xf32, #tpu.memory_space<hbm>>
      %dma_start3A_1236 = tpu.memref_slice %arg11[%dma_start3A_1225] : memref<2x!tpu.dma_semaphore, #tpu.memory_space<semaphore_mem>> -> memref<1x!tpu.dma_semaphore, #tpu.memory_space<semaphore_mem>>
      %dma_start3A_1237 = tpu.memref_squeeze %dma_start3A_1236 : memref<1x!tpu.dma_semaphore, #tpu.memory_space<semaphore_mem>> -> memref<!tpu.dma_semaphore, #tpu.memory_space<semaphore_mem>>
      tpu.enqueue_indirect_dma source(%dma_start3A_1229 : memref<64x128xf32, #tpu.memory_space<vmem>>) target(%dma_start3A_1235 : memref<262144x128xf32, #tpu.memory_space<hbm>>) offsets(%dma_start3A_1232 : memref<64xi32, #tpu.memory_space<vmem>>) semaphore(%dma_start3A_1237 : memref<!tpu.dma_semaphore, #tpu.memory_space<semaphore_mem>>)
      %dma_wait3A_1238 = arith.constant 1 : i32
      %dma_wait3A_1239 = arith.constant 1 : i32
      %dma_wait3A_1240 = arith.constant 0 : i32
      %dma_wait3A_1241 = arith.constant 1 : i32
      %dma_wait3A_1242 = arith.constant 0 : i32
      %dma_wait3A_1243 = arith.constant 0 : i32
      %dma_wait3A_1244 = tpu.memref_slice %arg8[%dma_wait3A_1238, %dma_wait3A_1242, %dma_wait3A_1243] : memref<2x64x128xf32, #tpu.memory_space<vmem>> -> memref<1x64x128xf32, #tpu.memory_space<vmem>>
      %dma_wait3A_1245 = tpu.memref_squeeze %dma_wait3A_1244 : memref<1x64x128xf32, #tpu.memory_space<vmem>> -> memref<64x128xf32, #tpu.memory_space<vmem>>
      %dma_wait3A_1246 = arith.constant 0 : i32
      %dma_wait3A_1247 = tpu.memref_slice %arg7[%dma_wait3A_1239, %dma_wait3A_1240, %dma_wait3A_1246] : memref<2x4x64xi32, #tpu.memory_space<vmem>> -> memref<1x1x64xi32, #tpu.memory_space<vmem>>
      %dma_wait3A_1248 = tpu.memref_squeeze %dma_wait3A_1247 : memref<1x1x64xi32, #tpu.memory_space<vmem>> -> memref<64xi32, #tpu.memory_space<vmem>>
      %dma_wait3A_1249 = arith.constant 0 : i32
      %dma_wait3A_1250 = arith.constant 0 : i32
      %dma_wait3A_1251 = tpu.memref_slice %arg4[%dma_wait3A_1249, %dma_wait3A_1250] : memref<262144x128xf32, #tpu.memory_space<hbm>> -> memref<262144x128xf32, #tpu.memory_space<hbm>>
      %dma_wait3A_1252 = tpu.memref_slice %arg11[%dma_wait3A_1241] : memref<2x!tpu.dma_semaphore, #tpu.memory_space<semaphore_mem>> -> memref<1x!tpu.dma_semaphore, #tpu.memory_space<semaphore_mem>>
      %dma_wait3A_1253 = tpu.memref_squeeze %dma_wait3A_1252 : memref<1x!tpu.dma_semaphore, #tpu.memory_space<semaphore_mem>> -> memref<!tpu.dma_semaphore, #tpu.memory_space<semaphore_mem>>
      tpu.wait_indirect_dma semaphore(%dma_wait3A_1253 : memref<!tpu.dma_semaphore, #tpu.memory_space<semaphore_mem>>) src(%dma_wait3A_1245 : memref<64x128xf32, #tpu.memory_space<vmem>>) dst(%dma_wait3A_1251 : memref<262144x128xf32, #tpu.memory_space<hbm>>)
      %dma_wait3A_1254 = arith.constant 1 : i32
      %dma_wait3A_1255 = arith.constant 1 : i32
      %dma_wait3A_1256 = arith.constant 1 : i32
      %dma_wait3A_1257 = arith.constant 1 : i32
      %dma_wait3A_1258 = arith.constant 0 : i32
      %dma_wait3A_1259 = arith.constant 0 : i32
      %dma_wait3A_1260 = tpu.memref_slice %arg8[%dma_wait3A_1254, %dma_wait3A_1258, %dma_wait3A_1259] : memref<2x64x128xf32, #tpu.memory_space<vmem>> -> memref<1x64x128xf32, #tpu.memory_space<vmem>>
      %dma_wait3A_1261 = tpu.memref_squeeze %dma_wait3A_1260 : memref<1x64x128xf32, #tpu.memory_space<vmem>> -> memref<64x128xf32, #tpu.memory_space<vmem>>
      %dma_wait3A_1262 = arith.constant 0 : i32
      %dma_wait3A_1263 = tpu.memref_slice %arg7[%dma_wait3A_1255, %dma_wait3A_1256, %dma_wait3A_1262] : memref<2x4x64xi32, #tpu.memory_space<vmem>> -> memref<1x1x64xi32, #tpu.memory_space<vmem>>
      %dma_wait3A_1264 = tpu.memref_squeeze %dma_wait3A_1263 : memref<1x1x64xi32, #tpu.memory_space<vmem>> -> memref<64xi32, #tpu.memory_space<vmem>>
      %dma_wait3A_1265 = arith.constant 0 : i32
      %dma_wait3A_1266 = arith.constant 0 : i32
      %dma_wait3A_1267 = tpu.memref_slice %arg4[%dma_wait3A_1265, %dma_wait3A_1266] : memref<262144x128xf32, #tpu.memory_space<hbm>> -> memref<262144x128xf32, #tpu.memory_space<hbm>>
      %dma_wait3A_1268 = tpu.memref_slice %arg11[%dma_wait3A_1257] : memref<2x!tpu.dma_semaphore, #tpu.memory_space<semaphore_mem>> -> memref<1x!tpu.dma_semaphore, #tpu.memory_space<semaphore_mem>>
      %dma_wait3A_1269 = tpu.memref_squeeze %dma_wait3A_1268 : memref<1x!tpu.dma_semaphore, #tpu.memory_space<semaphore_mem>> -> memref<!tpu.dma_semaphore, #tpu.memory_space<semaphore_mem>>
      tpu.wait_indirect_dma semaphore(%dma_wait3A_1269 : memref<!tpu.dma_semaphore, #tpu.memory_space<semaphore_mem>>) src(%dma_wait3A_1261 : memref<64x128xf32, #tpu.memory_space<vmem>>) dst(%dma_wait3A_1267 : memref<262144x128xf32, #tpu.memory_space<hbm>>)
      %dma_wait3A_1270 = arith.constant 1 : i32
      %dma_wait3A_1271 = arith.constant 1 : i32
      %dma_wait3A_1272 = arith.constant 2 : i32
      %dma_wait3A_1273 = arith.constant 1 : i32
      %dma_wait3A_1274 = arith.constant 0 : i32
      %dma_wait3A_1275 = arith.constant 0 : i32
      %dma_wait3A_1276 = tpu.memref_slice %arg8[%dma_wait3A_1270, %dma_wait3A_1274, %dma_wait3A_1275] : memref<2x64x128xf32, #tpu.memory_space<vmem>> -> memref<1x64x128xf32, #tpu.memory_space<vmem>>
      %dma_wait3A_1277 = tpu.memref_squeeze %dma_wait3A_1276 : memref<1x64x128xf32, #tpu.memory_space<vmem>> -> memref<64x128xf32, #tpu.memory_space<vmem>>
      %dma_wait3A_1278 = arith.constant 0 : i32
      %dma_wait3A_1279 = tpu.memref_slice %arg7[%dma_wait3A_1271, %dma_wait3A_1272, %dma_wait3A_1278] : memref<2x4x64xi32, #tpu.memory_space<vmem>> -> memref<1x1x64xi32, #tpu.memory_space<vmem>>
      %dma_wait3A_1280 = tpu.memref_squeeze %dma_wait3A_1279 : memref<1x1x64xi32, #tpu.memory_space<vmem>> -> memref<64xi32, #tpu.memory_space<vmem>>
      %dma_wait3A_1281 = arith.constant 0 : i32
      %dma_wait3A_1282 = arith.constant 0 : i32
      %dma_wait3A_1283 = tpu.memref_slice %arg4[%dma_wait3A_1281, %dma_wait3A_1282] : memref<262144x128xf32, #tpu.memory_space<hbm>> -> memref<262144x128xf32, #tpu.memory_space<hbm>>
      %dma_wait3A_1284 = tpu.memref_slice %arg11[%dma_wait3A_1273] : memref<2x!tpu.dma_semaphore, #tpu.memory_space<semaphore_mem>> -> memref<1x!tpu.dma_semaphore, #tpu.memory_space<semaphore_mem>>
      %dma_wait3A_1285 = tpu.memref_squeeze %dma_wait3A_1284 : memref<1x!tpu.dma_semaphore, #tpu.memory_space<semaphore_mem>> -> memref<!tpu.dma_semaphore, #tpu.memory_space<semaphore_mem>>
      tpu.wait_indirect_dma semaphore(%dma_wait3A_1285 : memref<!tpu.dma_semaphore, #tpu.memory_space<semaphore_mem>>) src(%dma_wait3A_1277 : memref<64x128xf32, #tpu.memory_space<vmem>>) dst(%dma_wait3A_1283 : memref<262144x128xf32, #tpu.memory_space<hbm>>)
      %dma_wait3A_1286 = arith.constant 1 : i32
      %dma_wait3A_1287 = arith.constant 1 : i32
      %dma_wait3A_1288 = arith.constant 3 : i32
      %dma_wait3A_1289 = arith.constant 1 : i32
      %dma_wait3A_1290 = arith.constant 0 : i32
      %dma_wait3A_1291 = arith.constant 0 : i32
      %dma_wait3A_1292 = tpu.memref_slice %arg8[%dma_wait3A_1286, %dma_wait3A_1290, %dma_wait3A_1291] : memref<2x64x128xf32, #tpu.memory_space<vmem>> -> memref<1x64x128xf32, #tpu.memory_space<vmem>>
      %dma_wait3A_1293 = tpu.memref_squeeze %dma_wait3A_1292 : memref<1x64x128xf32, #tpu.memory_space<vmem>> -> memref<64x128xf32, #tpu.memory_space<vmem>>
      %dma_wait3A_1294 = arith.constant 0 : i32
      %dma_wait3A_1295 = tpu.memref_slice %arg7[%dma_wait3A_1287, %dma_wait3A_1288, %dma_wait3A_1294] : memref<2x4x64xi32, #tpu.memory_space<vmem>> -> memref<1x1x64xi32, #tpu.memory_space<vmem>>
      %dma_wait3A_1296 = tpu.memref_squeeze %dma_wait3A_1295 : memref<1x1x64xi32, #tpu.memory_space<vmem>> -> memref<64xi32, #tpu.memory_space<vmem>>
      %dma_wait3A_1297 = arith.constant 0 : i32
      %dma_wait3A_1298 = arith.constant 0 : i32
      %dma_wait3A_1299 = tpu.memref_slice %arg4[%dma_wait3A_1297, %dma_wait3A_1298] : memref<262144x128xf32, #tpu.memory_space<hbm>> -> memref<262144x128xf32, #tpu.memory_space<hbm>>
      %dma_wait3A_1300 = tpu.memref_slice %arg11[%dma_wait3A_1289] : memref<2x!tpu.dma_semaphore, #tpu.memory_space<semaphore_mem>> -> memref<1x!tpu.dma_semaphore, #tpu.memory_space<semaphore_mem>>
      %dma_wait3A_1301 = tpu.memref_squeeze %dma_wait3A_1300 : memref<1x!tpu.dma_semaphore, #tpu.memory_space<semaphore_mem>> -> memref<!tpu.dma_semaphore, #tpu.memory_space<semaphore_mem>>
      tpu.wait_indirect_dma semaphore(%dma_wait3A_1301 : memref<!tpu.dma_semaphore, #tpu.memory_space<semaphore_mem>>) src(%dma_wait3A_1293 : memref<64x128xf32, #tpu.memory_space<vmem>>) dst(%dma_wait3A_1299 : memref<262144x128xf32, #tpu.memory_space<hbm>>)
    }
    %scan3A_86 = arith.constant 16 : i32
    return
  }
}

</mosaic_0001>

<sc_bundles>
// kernel: kernel.3.cloned.1.call-start
scs
__scs_entry_jumppad:
0x0: {  	(pc) =	sbr.rel $0x88, $3  }
0x1: {  	(tag) =	ssettag $0x0;
	lr =	simm.s32 $0x1  }
0x2: {  	[smem:$0x3F9F] =	sst lr;
	_ =	strace $0xD0000000  }
0x3: {  	_ = 	snop  }
0x4: {  	_ = 	snop  }
0x5: {  	_ = 	snop  }
0x6: {  	_ = 	snop  }
0x7: {  	_ = 	snop  }
__scs_overlays_trampoline_lowered:
0x8: {  	[smem:$0x3FAE] =	sst s0  }
0x9: {  	[smem:$0x3FAF] =	sst s1  }
0xa: {  	[smem:$0x3FB0] =	sst s2  }
0xb: {  	[smem:$0x3FB1] =	sst s3  }
0xc: {  	[smem:$0x3FB2] =	sst s4  }
0xd: {  	[smem:$0x3FB3] =	sst s5  }
0xe: {  	[smem:$0x3FB4] =	sst s6  }
0xf: {  	[smem:$0x3FB5] =	sst s7  }
0x10: {  	[smem:$0x3FB6] =	sst s8  }
0x11: {  	[smem:$0x3FB7] =	sst s9;
	s0 =	simm.s32 @!p0 $0x0  }
0x12: {  	s1 =	sld [smem:$0x3F9D];
	s0 =	simm.s32 @p0 $0x1  }
0x13: {  	[smem:$0x3FB8] =	sst s0;
	s0 =	simm.s32 @!p1 $0x0  }
0x14: {  	s2 =	sld [smem:$0x3F9C];
	s0 =	simm.s32 @p1 $0x1  }
0x15: {  	[smem:$0x3FB9] =	sst s0;
	s0 =	simm.s32 @!p2 $0x0  }
0x16: {  	s3 =	sld [smem:$0x3FDB];
	s0 =	simm.s32 @p2 $0x1  }
0x17: {  	s4 =	simm.s32 $0x1BF5;
	[smem:$0x3FBB] =	sst s0  }
0x18: {  	s0 =	sld [smem:$0x3F9E];
	_ =	swait.ge [sflag:s4], $0x0  }
0x19: {  	s7 =	sld [smem:$0x3F9F]  }
0x1a: {  	s8 =	sadd.s32 $0xFFFFE003, lr  }
0x1b: {  	s9 =	sadd.s32 $0xFFFFFEF7, lr;
	s5 =	simm.s32 $0xFFFFFFFF;
	p2 =	slt.u32 s8, $0xFFFFF086  }
0x1c: {  	p1 =	slt.u32 s9, $0xF7A;
	s5 =	simm.s32 @!p2 $0x0  }
0x1d: {  	s5 =	simm.s32 @p1 $0x1;
	p0 =	seq.s32 s7, s2  }
0x1e: {  	s7 =	smul.u32 @!p0 $0xF7A, s2;
	p2 =	seq.s32 @!p0 s5, $0x0  }
0x1f: {  	s9 =	smul.u32 $0xF7A, s1;
	s8 =	simm.s32 @!p0 $0x1BF5;
	p2 =	por !p2, p0  }
0x20: {  	[sflag:s8] =	ssyncset.s32 @!p0 $0xFFFFF086;
	s6 =	sadd.s32 @!p0 s3, s7;
	s7 =	simm.s32 @!p0 $0x108  }
0x21: {  	s3 =	sadd.s32 s3, s9;
	s6 =	sadd.s32 @!p0 $0x88, s6;
	s7 =	simm.s32 @p2 $0x1082  }
0x22: {  	[simem:s7], [sflag:s8] =	dma.local @!p0 [hbm:s6], $0xF7A  }
0x23: {  	s9 =	sor.u32 $0xD0000000, s2;
	s6 =	simm.s32 $0x108;
	_ =	swait.ge @!p0 [sflag:s8], $0x0  }
0x24: {  	s3 =	sadd.s32 $0x88, s3;
	s6 =	simm.s32 @!p1 $0x1082;
	[sflag:s4] =	ssyncset.s32 $0xFFFFF086  }
0x25: {  	[simem:s6], [sflag:s4] =	dma.local [hbm:s3], $0xF7A  }
0x26: {  	[smem:$0x3F9F] =	sst s1;
	(tag) =	ssettag s2;
	_ =	strace s9  }
0x27: {  	s1 =	sld [smem:$0x3FAF]  }
0x28: {  	s2 =	sld [smem:$0x3FB0]  }
0x29: {  	s4 =	sld [smem:$0x3FB2]  }
0x2a: {  	p0 =	seq.s32 s5, $0x0;
	s5 =	sld [smem:$0x3FB3]  }
0x2b: {  	s6 =	sld [smem:$0x3FB4]  }
0x2c: {  	s7 =	sld [smem:$0x3FB5]  }
0x2d: {  	s3 =	simm.s32 $0x108;
	s8 =	sld [smem:$0x3FB6]  }
0x2e: {  	s3 =	simm.s32 @!p0 $0x1082;
	s9 =	sld [smem:$0x3FB7]  }
0x2f: {  	lr =	sadd.s32 s0, s3;
	s0 =	sld [smem:$0x3FAE]  }
0x30: {  	s3 =	sld [smem:$0x3FB1]  }
0x31: {  	[smem:$0x3FBA] =	sst s10  }
0x32: {  	s10 =	sld [smem:$0x3FB8];
	_ =	sdelay $0x3  }
0x33: {  	p0 =	seq.s32 s10, $0x1;
	s10 =	sld [smem:$0x3FBA];
	_ =	sdelay $0x3  }
0x34: {  	[smem:$0x3FBA] =	sst s10  }
0x35: {  	s10 =	sld [smem:$0x3FB9];
	_ =	sdelay $0x3  }
0x36: {  	p1 =	seq.s32 s10, $0x1;
	s10 =	sld [smem:$0x3FBA];
	_ =	sdelay $0x3  }
0x37: {  	[smem:$0x3FBA] =	sst s10  }
0x38: {  	s10 =	sld [smem:$0x3FBB]  }
0x39: {  	_ = 	snop;
	(pc) =	sbr.ind lr, $3  }
0x3a: {  	_ = 	snop  }
0x3b: {  	_ = 	snop  }
0x3c: {  	p2 =	seq.s32 s10, $0x1;
	s10 =	sld [smem:$0x3FBA]  }
0x3d: {  	_ =	shalt  }
0x3e: {  	_ =	shalt  }
0x3f: {  	_ =	shalt  }
0x40: {  	_ =	shalt  }
0x41: {  	_ =	shalt  }
0x42: {  	_ =	shalt  }
0x43: {  	_ =	shalt  }
0x44: {  	_ =	shalt  }
0x45: {  	_ =	shalt  }
0x46: {  	_ =	shalt  }
0x47: {  	_ =	shalt  }
0x48: {  	_ =	shalt  }
0x49: {  	_ =	shalt  }
0x4a: {  	_ =	shalt  }
0x4b: {  	_ =	shalt  }
0x4c: {  	_ =	shalt  }
0x4d: {  	_ =	shalt  }
0x4e: {  	_ =	shalt  }
0x4f: {  	_ =	shalt  }
0x50: {  	_ =	shalt  }
0x51: {  	_ =	shalt  }
0x52: {  	_ =	shalt  }
0x53: {  	_ =	shalt  }
0x54: {  	_ =	shalt  }
0x55: {  	_ =	shalt  }
0x56: {  	_ =	shalt  }
0x57: {  	_ =	shalt  }
0x58: {  	_ =	shalt  }
0x59: {  	_ =	shalt  }
0x5a: {  	_ =	shalt  }
0x5b: {  	_ =	shalt  }
0x5c: {  	_ =	shalt  }
0x5d: {  	_ =	shalt  }
0x5e: {  	_ =	shalt  }
0x5f: {  	_ =	shalt  }
0x60: {  	_ =	shalt  }
0x61: {  	_ =	shalt  }
0x62: {  	_ =	shalt  }
0x63: {  	_ =	shalt  }
0x64: {  	_ =	shalt  }
0x65: {  	_ =	shalt  }
0x66: {  	_ =	shalt  }
0x67: {  	_ =	shalt  }
0x68: {  	_ =	shalt  }
0x69: {  	_ =	shalt  }
0x6a: {  	_ =	shalt  }
0x6b: {  	_ =	shalt  }
0x6c: {  	_ =	shalt  }
0x6d: {  	_ =	shalt  }
0x6e: {  	_ =	shalt  }
0x6f: {  	_ =	shalt  }
0x70: {  	_ =	shalt  }
0x71: {  	_ =	shalt  }
0x72: {  	_ =	shalt  }
0x73: {  	_ =	shalt  }
0x74: {  	_ =	shalt  }
0x75: {  	_ =	shalt  }
0x76: {  	_ =	shalt  }
0x77: {  	_ =	shalt  }
0x78: {  	_ =	shalt  }
0x79: {  	_ =	shalt  }
0x7a: {  	_ =	shalt  }
0x7b: {  	_ =	shalt  }
0x7c: {  	_ =	shalt  }
0x7d: {  	_ =	shalt  }
0x7e: {  	_ =	shalt  }
0x7f: {  	_ =	shalt  }
0x80: {  	_ =	shalt  }
0x81: {  	_ =	shalt  }
0x82: {  	_ =	shalt  }
0x83: {  	_ =	shalt  }
0x84: {  	_ =	shalt  }
0x85: {  	_ =	shalt  }
0x86: {  	_ =	shalt  }
0x87: {  	_ =	shalt  }
.Lfunc_end0:
.L_simem_size_0:
called_computation_lowered:
.L_overlay_start_0:
0x88: {  	s2 =	sld [smem:$0x3FD9]  }
0x89: {  	s3 =	sld [smem:$0x3FFE];
	_ =	sdelay $0x1  }
0x8a: {  	s1 =	srdreg.scid  }
0x8b: {  	s0 =	sand.u32 $0x1, s1  }
0x8c: {  	s17 =	sshll.u32 s0, $0xA;
	s2 =	sadd.s32 s3, s2  }
0x8d: {  	s2 =	sadd.s32 s2, s17  }
0x8e: {  	[smem:$0x3FC6] =	sst s2  }
0x8f: {  	_ = 	snop  }
0x90: {  	s2 =	sld [smem:$0x3FC8]  }
0x91: {  	s18 =	sld [smem:$0x3FD0];
	(tm) =	ssettm $0x1  }
0x92: {  	s4 =	sld [smem:$0x3FFB];
	_ =	sdelay $0x3  }
0x93: {  	_ =	strace s4  }
0x94: {  	s4 =	sld [smem:$0x3FFC];
	_ =	sdelay $0x3  }
0x95: {  	_ =	strace s4  }
0x96: {  	s4 =	sld [smem:$0x3FFD];
	_ =	sdelay $0x3  }
0x97: {  	_ =	strace s4  }
0x98: {  	_ =	strace $0x8FFFFFFF  }
0x99: {  	s19 =	sld [smem:$0x3FDB];
	_ =	sdelay $0x1  }
0x9a: {  	s5 =	simm.s32 $_scs_section_size  }
0x9b: {  	s6 =	simm.s32 $_size__tile_overlayer_lowered;
	s7 =	simm.s32 $_tile_overlayer_lowered  }
0x9c: {  	s22 =	simm.s32 $0x1BFF;
	s21 =	sshll.u32 s7, $0x1;
	s4 =	sadd.s32 s5, s19  }
0x9d: {  	s8 =	simm.s32 $0x0;
	s20 =	sshll.u32 s6, $0x1;
	s6 =	sadd.s32 s21, s4  }
0x9e: {  	[timem:s8], [sflag:s22] =	dma.local [hbm:s6], s20  }
0x9f: {  	_ =	swait.ge [sflag:s22], s20  }
0xa0: {  	s5 =	ssub.s32 $0x0, s20;
	[sflag:s22] =	ssyncset.done $0x0  }
0xa1: {  	[sflag:s22] =	ssyncadd.s32 s5;
	_ =	sdelay $0x1  }
0xa2: {  	s23 =	simm.s32 $0x1B8B  }
0xa3: {  	_ =	swait.ge [sflag:s23], $0x1  }
0xa4: {  	[sflag:s23] =	ssyncset.done $0x0  }
0xa5: {  	s25 =	simm.s32 $0x1B8E;
	s24 =	sld [smem:$0x3FFE];
	[sflag:s23] =	ssyncadd.s32 $0xFFFFFFFF  }
0xa6: {  	s26 =	simm.s32 $execute0_lowered;
	[smem:$0x3FD2] =	sst s25  }
0xa7: {  	s6 =	sshll.u32 s26, $0x1;
	_ =	strace $0x80000046;
	[dreg:$0x1] =	wrdreg $0xFFFFFFFF  }
0xa8: {  	s28 =	simm.s32 $_size_execute0_lowered;
	s4 =	sadd.s32 s4, s6;
	[dreg:$0x0] =	wrdreg $0x0  }
0xa9: {  	s6 =	sshll.u32 s28, $0x1;
	[dreg:$0x2] =	wrdreg s4  }
0xaa: {  	[dreg:$0x3] =	wrdreg s6  }
0xab: {  	[dreg:$0x4] =	wrdreg $0xC0  }
0xac: {  	_ =	task [dreg:s8], $0x5FFFF  }
0xad: {  	[dreg:$0x1] =	wrdreg $0xFFFFFFFF  }
0xae: {  	[dreg:$0x0] =	wrdreg $0x60  }
0xaf: {  	[dreg:$0x2] =	wrdreg s24  }
0xb0: {  	[dreg:$0x3] =	wrdreg s2  }
0xb1: {  	[dreg:$0x4] =	wrdreg s18  }
0xb2: {  	[dreg:$0x5] =	wrdreg $0x4B800  }
0xb3: {  	[dreg:$0x6] =	wrdreg $0x9  }
0xb4: {  	_ =	task.clear_ibuf [dreg:s8], $0x7FFFF;
	_ =	strace $0x90000046  }
0xb5: {  	s29 =	simm.s32 $0x9;
	_ =	strace $0x80000048  }
0xb6: {  	_ =	swait.ge [sflag:s29], $0x1  }
0xb7: {  	[sflag:s29] =	ssyncadd.s32 $0xFFFFFFFF  }
0xb8: {  	_ =	strace $0x90000048  }
0xb9: {  	_ =	sfence  }
0xba: {  	s30 =	sld [smem:$0x0];
	_ =	sdelay $0x2  }
0xbb: {  	s31 =	sshll.u32 s1, $0xD;
	s1 =	sshrl.u32 s1, $0x2  }
0xbc: {  	s3 =	sand.u32 $0x4000, s31;
	s1 =	sadd.s32 s1, s30  }
0xbd: {  	s0 =	sor.u32 s3, s0;
	s1 =	sshll.u32 s1, $0x11  }
0xbe: {  	s0 =	sor.u32 s1, s0  }
0xbf: {  	s0 =	sadd.s32 $0x8F2B, s0  }
0xc0: {  	[sflag:s0] =	ssyncadd.remote.s32 $0x1  }
0xc1: {  	_ =	sfence.sel $0xFFFF  }
0xc2: {  	[dreg:$0x0] =	wrdreg $0xFFFFFFFF;
	(pc) =	sbr.abs _section_cstart, $3  }
0xc3: {  	[dreg:$0x1] =	wrdreg $0xFFFFFFFF  }
0xc4: {  	_ =	task.clear_ibuf [dreg:s8], $0x2FFFF;
	_ =	strace $0x9FFFFFFF  }
0xc5: {  	(tm) =	ssettm $0x7FFFFFFF  }
tec
execute0_lowered:
.L_overlay_start_1:
0x0: {  	(tag) =	ssettag $0x1  }
0x1: {  	v0 =	vimm.f32 $0.0e+00;
	v1 =	vimm.s32 $0xD1D0CFCE  }
0x2: {  	v2 =	vimm.s32 $0x31;
	vm0 =	vcmask $0x300;
	v3 =	vimm.s32 $0xC9C8C4C0  }
0x3: {  	v5 =	vimm.s32 $0xCDCCCBCA;
	vm15 =	vcmask $0x1F10;
	v9 =	vimm.s32 $0xDFDEDDDC  }
0x4: {  	v10 =	vimm.s32 $0xD7D6C5C1;
	v11 =	vimm.s32 $0xDBDAD9D8;
	v16 =	vimm.s32 $0xE9E8E7E6  }
0x5: {  	v17 =	vimm.s32 $0xFBFAF9F8;
	v18 =	vimm.s32 $0xFFFEFDFC;
	v19 =	vimm.s32 $0xF3F2C7C3  }
0x6: {  	v20 =	vimm.s32 $0xF7F6F5F4;
	v4 =	vunpack.c.0.s8.s32 v1;
	v1 =	vimm.s32 $0xD5D4D3D2  }
0x7: {  	v7 =	vunpack.c.0.s8.s32 v3;
	v5 =	vunpack.c.0.s8.s32 v5;
	v2 =	vsel vm0, $0x30, v2  }
0x8: {  	v12 =	vunpack.c.0.s8.s32 v9;
	v9 =	vimm.s32 $0xE3E2E1E0;
	v14 =	vunpack.c.0.s8.s32 v10  }
0x9: {  	s0 =	rddreg [dreg:$0x0];
	v15 =	vunpack.c.0.s8.s32 v11;
	v16 =	vunpack.c.0.s8.s32 v16;
	v17 =	vunpack.c.0.s8.s32 v17  }
0xa: {  	s2 =	srdreg.scid;
	s1 =	rddreg [dreg:$0x2];
	v18 =	vunpack.c.0.s8.s32 v18;
	v19 =	vunpack.c.0.s8.s32 v19;
	v20 =	vunpack.c.0.s8.s32 v20  }
0xb: {  	s8 =	stileid.u32;
	s3 =	rddreg [dreg:$0x3];
	s10 =	simm.s32 $0x32;
	v6 =	vunpack.c.0.s8.s32 v1;
	v1 =	vlaneseq.u32;
	v13 =	vunpack.c.0.s8.s32 v9  }
0xc: {  	s12 =	simm.s32 $0xB80;
	s13 =	simm.s32 $0x1;
	s14 =	simm.s32 $0x700;
	v3 =	vmul.u32 $0x4, v1;
	v7 =	vsel vm15, v5, v7;
	v5 =	vor.u32 $0x20, v1  }
0xd: {  	s15 =	simm.s32 $0x2B80;
	s17 =	simm.s32 $0x780;
	s18 =	simm.s32 $0x800;
	v6 =	vsel vm15, v6, v4;
	v4 =	vor.u32 $0x10, v1;
	v12 =	vsel vm15, v13, v12  }
0xe: {  	s16 =	simm.s32 $0x40;
	s19 =	simm.s32 $0x880;
	s20 =	simm.s32 $0x900;
	v13 =	vsel vm15, v15, v14;
	v14 =	vimm.s32 $0xEDECEBEA;
	v15 =	vimm.s32 $0xF1F0EFEE  }
0xf: {  	s21 =	simm.s32 $0x3;
	s22 =	simm.s32 $0x2;
	s23 =	simm.s32 $0x980;
	v8 =	vcombine.low v7, v6;
	v6 =	vor.u32 $0x40, v3;
	v12 =	vcombine.low v13, v12  }
0x10: {  	s24 =	simm.s32 $0xA00;
	s25 =	simm.s32 $0xA80;
	s26 =	simm.s32 $0xB00;
	v13 =	vunpack.c.0.s8.s32 v14;
	v14 =	vunpack.c.0.s8.s32 v15;
	v15 =	vimm.s32 $0xE5E4C6C2  }
0x11: {  	s28 =	simm.s32 $0x4;
	s29 =	simm.s32 $0x0;
	s2 =	sand.u32 $0x1, s2;
	v7 =	vor.u32 $0x80, v3;
	v9 =	vor.u32 $0x1, v3;
	v15 =	vunpack.c.0.s8.s32 v15  }
0x12: {  	s4 =	sshll.u32 s8, $0x1;
	s31 =	sshll.u32 s8, $0xE;
	p0 =	sne.s32 s8, $0x0;
	v10 =	vor.u32 $0x41, v3;
	v11 =	vor.u32 $0x81, v3;
	v8 =	vand.u32 $0xFF, v8  }
0x13: {  	s8 =	simm.s32 $0x5;
	s5 =	sor.u32 s2, s4;
	s4 =	simm.s32 $0x0;
	v12 =	vand.u32 $0xFF, v12;
	v13 =	vsel vm15, v14, v13;
	v14 =	vsel vm15, v16, v15  }
0x14: {  	s6 =	ssub.s32 $0x2, s2;
	s2 =	sshll.u32 s2, $0xD;
	s5 =	smul.u32 $0xC8, s5;
	v15 =	vsel vm15, v18, v17;
	v17 =	vsel vm15, v20, v19;
	v18 =	vor.u32 $0x43, v3  }
0x15: {  	s9 =	sshrl.u32 @!p0 s3, $0x3;
	[smem:$0x7FF] =	sst s4;
	s7 =	sshrl.u32 s6, $0x1;
	v19 =	vor.u32 $0x83, v3;
	v16 =	vcombine.low v14, v13;
	v20 =	vcombine.low v17, v15  }
0x16: {  	_ =	strace $0x80000047;
	s6 =	ssub.s32 s6, s7;
	s0 =	sadd.s32 s5, s0;
	v13 =	vor.u32 $0x2, v3;
	v14 =	vor.u32 $0x42, v3;
	v15 =	vor.u32 $0x82, v3  }
0x17: {  	s7 =	sor.u32 s2, s31;
	s6 =	smax.u32 s6, $0x1;
	s5 =	sadd.s32 $0x400, s0;
	v17 =	vor.u32 $0x3, v3;
	v16 =	vand.u32 $0xFF, v16;
	v20 =	vand.u32 $0xFF, v20  }
.LBB2_1:
0x18: {  	[tilespmem:s4], [sflag:$0x5] =	stream.linear.gather [hbm4b:s5+s4], $0x640, $0x38;
	[tilespmem:$0x6AC8] =	vst v63  }
0x19: {  	_ =	swait.ge [sflag:s8], $0x640  }
0x1a: {  	[sflag:s8] =	ssyncset.done $0x0  }
0x1b: {  	[sflag:s8] =	ssyncadd.s32 $0xFFFFF9C0  }
0x1c: {  	s0 =	simm.s32 @!p0 $0x1C05;
	s2 =	rddreg [dreg:$0x1]  }
0x1d: {  	[spmem:s9], [sflag:s0] =	dma.local @!p0 [hbm:s2], $0x3E90  }
0x1e: {  	s0 =	simm.s32 @!p0 $0x5  }
0x1f: {  	_ =	swait.ge @!p0 [sflag:s0], $0x3E90  }
0x20: {  	[sflag:s0] =	ssyncset.done @!p0 $0x0  }
0x21: {  	s2 =	sand.u32 $0x7F0, s4;
	[sflag:s0] =	ssyncadd.s32 @!p0 $0xFFFFC170;
	s0 =	simm.s32 $0x10  }
.LBB2_2:
0x22: {  	p1 =	sne.s32 s0, $0x6F0;
	[tilespmem:s2+$0x2480] =	vst v0;
	s30 =	smov.u32 s0;
	s0 =	sadd.s32 $0x10, s0  }
.Ltmp0:
0x23: {  	[tilespmem:s2+$0x4480] =	vst v0;
	(pc) =	sbr.rel @p1 .LBB2_2-.Ltmp0, $2  }
0x24: {  	_ =	sdelay $0x2  }
0x25: {  	s2 =	sand.u32 $0x7F0, s30  }
0x26: {  	_ = 	snop  }
0x27: {  	[tilespmem:s2+$0x2480] =	vst v0  }
0x28: {  	[tilespmem:s2+$0x4480] =	vst v0  }
0x29: {  	[bflag:$0x0] =	sbarrier.arrive $0xFFFF  }
0x2a: {  	v21 =	vld.idx.msk [tilespmem:v1+s4+$0x0], $0xffff;
	_ =	sdelay $0x4  }
0x2b: {  	[tilespmem:$0x680] =	vst v21  }
0x2c: {  	v21 =	vld.idx.msk [tilespmem:v4+s4+$0x0], $0xffff;
	_ =	sdelay $0x4  }
0x2d: {  	[tilespmem:$0x690] =	vst v21  }
0x2e: {  	v21 =	vld.idx.msk [tilespmem:v5+s4+$0x0], $0xffff;
	_ =	sdelay $0x4  }
0x2f: {  	[tilespmem:$0x6A0] =	vst v21  }
0x30: {  	v21 =	vld.idx.msk [tilespmem:v2+s4+$0x0], $0xffff;
	_ =	sdelay $0x3  }
0x31: {  	s0 =	simm.s32 $0x32  }
0x32: {  	s11 =	simm.s32 $0x680;
	[tilespmem:$0x6B0] =	vst v21;
	v21 =	vadd.s32 s0, v1  }
0x33: {  	[tilespmem:s12], [sflag:$0x1] =	stream.indirect.gather [spmem:s3], $0x80, s11, s10, $0xb8;
	[tilespmem:$0x6AC8] =	vst v63  }
0x34: {  	_ =	swait.ge [sflag:s13], $0x1900  }
0x35: {  	[sflag:s13] =	ssyncset.done $0x0  }
0x36: {  	[sflag:s13] =	ssyncadd.s32 $0xFFFFE700  }
0x37: {  	v21 =	vld.idx.msk [tilespmem:v21+s4+$0x0], $0xffff  }
0x38: {  	v22 =	vadd.s32 s0, v4;
	_ =	sdelay $0x3  }
0x39: {  	[tilespmem:$0x700] =	vst v21  }
0x3a: {  	v21 =	vld.idx.msk [tilespmem:v22+s4+$0x0], $0xffff  }
0x3b: {  	v22 =	vadd.s32 s0, v5;
	_ =	sdelay $0x3  }
0x3c: {  	[tilespmem:$0x710] =	vst v21  }
0x3d: {  	v21 =	vld.idx.msk [tilespmem:v22+s4+$0x0], $0xffff  }
0x3e: {  	v22 =	vadd.s32 s0, v2;
	_ =	sdelay $0x3  }
0x3f: {  	[tilespmem:$0x720] =	vst v21  }
0x40: {  	v21 =	vld.idx.msk [tilespmem:v22+s4+$0x0], $0xffff;
	_ =	sdelay $0x4  }
0x41: {  	[tilespmem:$0x730] =	vst v21  }
0x42: {  	v21 =	vor.u32 s7, v20;
	[tilespmem:s15], [sflag:$0x2] =	stream.indirect.gather [spmem:s3], $0x80, s14, s10, $0xb8;
	[tilespmem:$0x6AC8] =	vst v63  }
0x43: {  	v22 =	vor.u32 s7, v19;
	[tilespmem:$0x930] =	vst v21  }
0x44: {  	v21 =	vor.u32 s7, v18;
	[tilespmem:$0x920] =	vst v22  }
0x45: {  	v22 =	vor.u32 s7, v17;
	[tilespmem:$0x910] =	vst v21  }
0x46: {  	v21 =	vor.u32 s7, v16;
	[tilespmem:$0x900] =	vst v22  }
0x47: {  	v22 =	vor.u32 s7, v15;
	[tilespmem:$0x8B0] =	vst v21  }
0x48: {  	v21 =	vor.u32 s7, v14;
	[tilespmem:$0x8A0] =	vst v22  }
0x49: {  	v22 =	vor.u32 s7, v13;
	[tilespmem:$0x890] =	vst v21  }
0x4a: {  	v21 =	vor.u32 s7, v12;
	[tilespmem:$0x880] =	vst v22  }
0x4b: {  	v22 =	vor.u32 s7, v11;
	[tilespmem:$0x830] =	vst v21  }
0x4c: {  	v21 =	vor.u32 s7, v10;
	[tilespmem:$0x820] =	vst v22  }
0x4d: {  	v22 =	vor.u32 s7, v9;
	[tilespmem:$0x810] =	vst v21  }
0x4e: {  	v21 =	vor.u32 s7, v8;
	[tilespmem:$0x800] =	vst v22  }
0x4f: {  	v22 =	vor.u32 s7, v7;
	[tilespmem:$0x7B0] =	vst v21  }
0x50: {  	v21 =	vor.u32 s7, v3;
	[tilespmem:$0x7A0] =	vst v22  }
0x51: {  	[tilespmem:$0x780] =	vst v21;
	v21 =	vor.u32 s7, v6  }
0x52: {  	[tilespmem:$0x790] =	vst v21  }
0x53: {  	[hbm4b:s1+s16] =	stream.indirect.scatter [tilespmem:s12], [sflag:$0x3], $0x80, s17, s16, $0xb8;
	[tilespmem:$0x6AC8] =	vst v63  }
0x54: {  	_ = 	snop  }
0x55: {  	[hbm4b:s1+s16] =	stream.indirect.scatter [tilespmem:s12], [sflag:$0x3], $0x80, s18, s16, $0xb8;
	[tilespmem:$0x6AC8] =	vst v63  }
0x56: {  	_ = 	snop  }
0x57: {  	[hbm4b:s1+s16] =	stream.indirect.scatter [tilespmem:s12], [sflag:$0x3], $0x80, s19, s16, $0xb8;
	[tilespmem:$0x6AC8] =	vst v63  }
0x58: {  	_ = 	snop  }
0x59: {  	[hbm4b:s1+s16] =	stream.indirect.scatter [tilespmem:s12], [sflag:$0x3], $0x80, s20, s16, $0xb8;
	[tilespmem:$0x6AC8] =	vst v63  }
0x5a: {  	_ =	swait.ge [sflag:s21], $0x2000  }
0x5b: {  	[sflag:s21] =	ssyncset.done $0x0  }
0x5c: {  	[sflag:s21] =	ssyncadd.s32 $0xFFFFE000  }
0x5d: {  	_ =	swait.ge [sflag:s21], $0x2000  }
0x5e: {  	[sflag:s21] =	ssyncset.done $0x0  }
0x5f: {  	p1 =	por $0x0, $0x0;
	[sflag:s21] =	ssyncadd.s32 $0xFFFFE000  }
0x60: {  	s0 =	simm.s32 $0x64;
	v21 =	vlaneseq.u32 @!p1;
	_ =	swait.ge [sflag:s21], $0x2000  }
0x61: {  	v22 =	vadd.s32 @!p1 s0, v21;
	[sflag:s21] =	ssyncset.done $0x0  }
0x62: {  	[sflag:s21] =	ssyncadd.s32 $0xFFFFE000  }
0x63: {  	_ =	swait.ge [sflag:s21], $0x2000  }
0x64: {  	[sflag:s21] =	ssyncset.done $0x0  }
0x65: {  	s2 =	simm.s32 @!p1 $0x0;
	[sflag:s21] =	ssyncadd.s32 $0xFFFFE000  }
0x66: {  	v23 =	vor.u32 @!p1 $0x10, v21;
	v22 =	vld.idx.msk @!p1 [tilespmem:v22+s2+$0x0], $0xffff  }
0x67: {  	v23 =	vadd.s32 @!p1 s0, v23;
	_ =	sdelay $0x3  }
0x68: {  	[tilespmem:$0x680] =	vst @!p1 v22  }
0x69: {  	v21 =	vor.u32 @!p1 $0x20, v21;
	v22 =	vld.idx.msk @!p1 [tilespmem:v23+s2+$0x0], $0xffff  }
0x6a: {  	v21 =	vadd.s32 @!p1 s0, v21;
	_ =	sdelay $0x3  }
0x6b: {  	vm0 =	vcmask @!p1 $0x300;
	v23 =	vimm.s32 @!p1 $0x31;
	[tilespmem:$0x690] =	vst @!p1 v22  }
0x6c: {  	v22 =	vsel @!p1 vm0, $0x30, v23;
	v21 =	vld.idx.msk @!p1 [tilespmem:v21+s2+$0x0], $0xffff  }
0x6d: {  	v22 =	vadd.s32 @!p1 s0, v22;
	_ =	sdelay $0x3  }
0x6e: {  	[tilespmem:$0x6A0] =	vst @!p1 v21  }
0x6f: {  	v21 =	vld.idx.msk @!p1 [tilespmem:v22+s2+$0x0], $0xffff;
	_ =	sdelay $0x4  }
0x70: {  	s30 =	simm.s32 @!p1 $0xB80;
	s0 =	simm.s32 @!p1 $0x32;
	s2 =	simm.s32 @!p1 $0x680;
	[tilespmem:$0x6B0] =	vst @!p1 v21  }
0x71: {  	[tilespmem:s30], [sflag:$0x1] =	stream.indirect.gather @!p1 [spmem:s3], $0x80, s2, s0, $0xb8;
	[tilespmem:$0x6AC8] =	vst v63  }
0x72: {  	_ =	swait.ge [sflag:s22], $0x1900  }
0x73: {  	s0 =	sadd.s32 $0x100, s7;
	[sflag:s22] =	ssyncset.done $0x0  }
0x74: {  	v21 =	vor.u32 s0, v3;
	[sflag:s22] =	ssyncadd.s32 $0xFFFFE700  }
0x75: {  	v22 =	vor.u32 s0, v9;
	[tilespmem:$0x980] =	vst v21  }
0x76: {  	v21 =	vor.u32 s0, v20;
	[tilespmem:$0xA00] =	vst v22  }
0x77: {  	v22 =	vor.u32 s0, v10;
	[tilespmem:$0xB30] =	vst v21  }
0x78: {  	s31 =	smov.u32 s7;
	s30 =	simm.s32 $0xC8;
	v21 =	vor.u32 s0, v11;
	[tilespmem:$0xA10] =	vst v22;
	v22 =	vor.u32 s0, v19  }
.LBB2_4:
0x79: {  	[tilespmem:$0xB20] =	vst v22;
	s31 =	sadd.s32 $0x200, s31;
	s2 =	smov.u32 s30;
	s30 =	sadd.s32 $0x64, s30  }
0x7a: {  	p1 =	sne.s32 s30, $0x6A4;
	[tilespmem:$0xA20] =	vst v21;
	v21 =	vor.u32 s0, v18  }
0x7b: {  	v22 =	vor.u32 s0, v14;
	[tilespmem:$0xB10] =	vst v21  }
0x7c: {  	v21 =	vor.u32 s0, v16;
	[tilespmem:$0xA90] =	vst v22  }
0x7d: {  	v22 =	vor.u32 s0, v13;
	[tilespmem:$0xAB0] =	vst v21  }
0x7e: {  	v21 =	vor.u32 s0, v8;
	[tilespmem:$0xA80] =	vst v22  }
0x7f: {  	[tilespmem:$0x9B0] =	vst v21;
	v21 =	vor.u32 s0, v17  }
0x80: {  	v22 =	vor.u32 s0, v12;
	[tilespmem:$0xB00] =	vst v21  }
0x81: {  	v21 =	vor.u32 s0, v15;
	[tilespmem:$0xA30] =	vst v22  }
0x82: {  	v23 =	vor.u32 s0, v7;
	v22 =	vor.u32 s0, v6;
	[tilespmem:$0xAA0] =	vst v21  }
0x83: {  	[tilespmem:$0x990] =	vst v22  }
0x84: {  	[tilespmem:$0x9A0] =	vst v23  }
0x85: {  	[hbm4b:s1+s16] =	stream.indirect.scatter [tilespmem:s15], [sflag:$0x4], $0x80, s23, s16, $0xb8;
	[tilespmem:$0x6AC8] =	vst v63  }
0x86: {  	_ = 	snop  }
0x87: {  	[hbm4b:s1+s16] =	stream.indirect.scatter [tilespmem:s15], [sflag:$0x4], $0x80, s24, s16, $0xb8;
	[tilespmem:$0x6AC8] =	vst v63  }
0x88: {  	_ = 	snop  }
0x89: {  	[hbm4b:s1+s16] =	stream.indirect.scatter [tilespmem:s15], [sflag:$0x4], $0x80, s25, s16, $0xb8;
	[tilespmem:$0x6AC8] =	vst v63  }
0x8a: {  	_ = 	snop  }
0x8b: {  	[hbm4b:s1+s16] =	stream.indirect.scatter [tilespmem:s15], [sflag:$0x4], $0x80, s26, s16, $0xb8;
	[tilespmem:$0x6AC8] =	vst v63  }
0x8c: {  	_ =	swait.ge [sflag:s28], $0x2000  }
0x8d: {  	[sflag:s28] =	ssyncset.done $0x0  }
0x8e: {  	[sflag:s28] =	ssyncadd.s32 $0xFFFFE000  }
0x8f: {  	_ =	swait.ge [sflag:s28], $0x2000  }
0x90: {  	[sflag:s28] =	ssyncset.done $0x0  }
0x91: {  	[sflag:s28] =	ssyncadd.s32 $0xFFFFE000  }
0x92: {  	_ =	swait.ge [sflag:s28], $0x2000  }
0x93: {  	[sflag:s28] =	ssyncset.done $0x0  }
0x94: {  	[sflag:s28] =	ssyncadd.s32 $0xFFFFE000  }
0x95: {  	s0 =	sadd.s32 $0xFFFFFFCE, s2;
	_ =	swait.ge [sflag:s28], $0x2000  }
0x96: {  	v21 =	vadd.s32 s0, v1;
	[sflag:s28] =	ssyncset.done $0x0  }
0x97: {  	[sflag:s28] =	ssyncadd.s32 $0xFFFFE000  }
0x98: {  	_ =	swait.ge [sflag:s13], $0x1900  }
0x99: {  	[sflag:s13] =	ssyncset.done $0x0  }
0x9a: {  	[sflag:s13] =	ssyncadd.s32 $0xFFFFE700  }
0x9b: {  	v21 =	vld.idx.msk [tilespmem:v21+s4+$0x0], $0xffff;
	_ =	sdelay $0x1  }
0x9c: {  	v22 =	vadd.s32 s0, v4;
	_ =	sdelay $0x3  }
0x9d: {  	[tilespmem:$0x700] =	vst v21  }
0x9e: {  	v21 =	vld.idx.msk [tilespmem:v22+s4+$0x0], $0xffff;
	_ =	sdelay $0x1  }
0x9f: {  	v22 =	vadd.s32 s0, v5;
	_ =	sdelay $0x3  }
0xa0: {  	[tilespmem:$0x710] =	vst v21  }
0xa1: {  	v21 =	vld.idx.msk [tilespmem:v22+s4+$0x0], $0xffff;
	_ =	sdelay $0x1  }
0xa2: {  	v22 =	vadd.s32 s0, v2;
	_ =	sdelay $0x3  }
0xa3: {  	[tilespmem:$0x720] =	vst v21  }
0xa4: {  	v21 =	vld.idx.msk [tilespmem:v22+s4+$0x0], $0xffff;
	_ =	sdelay $0x5  }
0xa5: {  	[tilespmem:$0x730] =	vst v21  }
0xa6: {  	v21 =	vor.u32 s31, v20;
	[tilespmem:s15], [sflag:$0x2] =	stream.indirect.gather [spmem:s3], $0x80, s14, s10, $0xb8;
	[tilespmem:$0x6AC8] =	vst v63  }
0xa7: {  	v22 =	vor.u32 s31, v19;
	[tilespmem:$0x930] =	vst v21  }
0xa8: {  	v21 =	vor.u32 s31, v18;
	[tilespmem:$0x920] =	vst v22  }
0xa9: {  	v22 =	vor.u32 s31, v17;
	[tilespmem:$0x910] =	vst v21  }
0xaa: {  	v21 =	vor.u32 s31, v16;
	[tilespmem:$0x900] =	vst v22  }
0xab: {  	v22 =	vor.u32 s31, v15;
	[tilespmem:$0x8B0] =	vst v21  }
0xac: {  	v21 =	vor.u32 s31, v14;
	[tilespmem:$0x8A0] =	vst v22  }
0xad: {  	v22 =	vor.u32 s31, v13;
	[tilespmem:$0x890] =	vst v21  }
0xae: {  	v21 =	vor.u32 s31, v12;
	[tilespmem:$0x880] =	vst v22  }
0xaf: {  	v22 =	vor.u32 s31, v11;
	[tilespmem:$0x830] =	vst v21  }
0xb0: {  	v21 =	vor.u32 s31, v10;
	[tilespmem:$0x820] =	vst v22  }
0xb1: {  	v22 =	vor.u32 s31, v9;
	[tilespmem:$0x810] =	vst v21  }
0xb2: {  	v21 =	vor.u32 s31, v8;
	[tilespmem:$0x800] =	vst v22  }
0xb3: {  	v22 =	vor.u32 s31, v7;
	[tilespmem:$0x7B0] =	vst v21  }
0xb4: {  	v21 =	vor.u32 s31, v3;
	[tilespmem:$0x7A0] =	vst v22  }
0xb5: {  	[tilespmem:$0x780] =	vst v21;
	v21 =	vor.u32 s31, v6  }
0xb6: {  	[tilespmem:$0x790] =	vst v21  }
0xb7: {  	[hbm4b:s1+s16] =	stream.indirect.scatter [tilespmem:s12], [sflag:$0x3], $0x80, s17, s16, $0xb8;
	[tilespmem:$0x6AC8] =	vst v63  }
0xb8: {  	_ = 	snop  }
0xb9: {  	[hbm4b:s1+s16] =	stream.indirect.scatter [tilespmem:s12], [sflag:$0x3], $0x80, s18, s16, $0xb8;
	[tilespmem:$0x6AC8] =	vst v63  }
0xba: {  	_ = 	snop  }
0xbb: {  	[hbm4b:s1+s16] =	stream.indirect.scatter [tilespmem:s12], [sflag:$0x3], $0x80, s19, s16, $0xb8;
	[tilespmem:$0x6AC8] =	vst v63  }
0xbc: {  	_ = 	snop  }
0xbd: {  	[hbm4b:s1+s16] =	stream.indirect.scatter [tilespmem:s12], [sflag:$0x3], $0x80, s20, s16, $0xb8;
	[tilespmem:$0x6AC8] =	vst v63  }
0xbe: {  	_ =	swait.ge [sflag:s21], $0x2000  }
0xbf: {  	[sflag:s21] =	ssyncset.done $0x0  }
0xc0: {  	[sflag:s21] =	ssyncadd.s32 $0xFFFFE000  }
0xc1: {  	_ =	swait.ge [sflag:s21], $0x2000  }
0xc2: {  	[sflag:s21] =	ssyncset.done $0x0  }
0xc3: {  	p2 =	seq.s32 s2, $0x640;
	[sflag:s21] =	ssyncadd.s32 $0xFFFFE000  }
0xc4: {  	vm0 =	vcmask @!p2 $0x300;
	v22 =	vimm.s32 @!p2 $0x31;
	v21 =	vlaneseq.u32 @!p2;
	_ =	swait.ge [sflag:s21], $0x2000  }
0xc5: {  	v23 =	vadd.s32 @!p2 s2, v21;
	v24 =	vor.u32 @!p2 $0x10, v21;
	v21 =	vor.u32 @!p2 $0x20, v21;
	[sflag:s21] =	ssyncset.done $0x0  }
0xc6: {  	v22 =	vsel @!p2 vm0, $0x30, v22;
	v24 =	vadd.s32 @!p2 s2, v24;
	v21 =	vadd.s32 @!p2 s2, v21;
	[sflag:s21] =	ssyncadd.s32 $0xFFFFE000  }
0xc7: {  	v22 =	vadd.s32 @!p2 s2, v22;
	_ =	swait.ge [sflag:s21], $0x2000  }
0xc8: {  	[sflag:s21] =	ssyncset.done $0x0  }
0xc9: {  	s0 =	simm.s32 @!p2 $0x0;
	[sflag:s21] =	ssyncadd.s32 $0xFFFFE000  }
0xca: {  	v23 =	vld.idx.msk @!p2 [tilespmem:v23+s0+$0x0], $0xffff;
	_ =	sdelay $0x5  }
0xcb: {  	[tilespmem:$0x680] =	vst @!p2 v23  }
0xcc: {  	v23 =	vld.idx.msk @!p2 [tilespmem:v24+s0+$0x0], $0xffff;
	_ =	sdelay $0x5  }
0xcd: {  	[tilespmem:$0x690] =	vst @!p2 v23  }
0xce: {  	v21 =	vld.idx.msk @!p2 [tilespmem:v21+s0+$0x0], $0xffff;
	_ =	sdelay $0x5  }
0xcf: {  	[tilespmem:$0x6A0] =	vst @!p2 v21  }
0xd0: {  	v21 =	vld.idx.msk @!p2 [tilespmem:v22+s0+$0x0], $0xffff;
	_ =	sdelay $0x5  }
0xd1: {  	s11 =	simm.s32 @!p2 $0xB80;
	s2 =	simm.s32 @!p2 $0x680;
	s0 =	simm.s32 @!p2 $0x32;
	[tilespmem:$0x6B0] =	vst @!p2 v21  }
0xd2: {  	[tilespmem:s11], [sflag:$0x1] =	stream.indirect.gather @!p2 [spmem:s3], $0x80, s2, s0, $0xb8;
	[tilespmem:$0x6AC8] =	vst v63  }
0xd3: {  	_ =	swait.ge [sflag:s22], $0x1900  }
0xd4: {  	s0 =	sadd.s32 $0x100, s31;
	[sflag:s22] =	ssyncset.done $0x0  }
.Ltmp1:
0xd5: {  	v22 =	vor.u32 s0, v3;
	v21 =	vor.u32 s0, v11;
	[sflag:s22] =	ssyncadd.s32 $0xFFFFE700;
	(pc) =	sbr.rel @p1 .LBB2_4-.Ltmp1, $4  }
0xd6: {  	[tilespmem:$0x980] =	vst v22;
	v22 =	vor.u32 s0, v20  }
0xd7: {  	v23 =	vor.u32 s0, v9;
	[tilespmem:$0xB30] =	vst v22  }
0xd8: {  	v22 =	vor.u32 s0, v10;
	[tilespmem:$0xA00] =	vst v23  }
0xd9: {  	[tilespmem:$0xA10] =	vst v22;
	v22 =	vor.u32 s0, v19  }
0xda: {  	[tilespmem:$0xB20] =	vst v22  }
0xdb: {  	[tilespmem:$0xA20] =	vst v21;
	v21 =	vor.u32 s0, v18  }
0xdc: {  	v22 =	vor.u32 s0, v14;
	[tilespmem:$0xB10] =	vst v21  }
0xdd: {  	[tilespmem:$0xA90] =	vst v22;
	v21 =	vor.u32 s0, v16  }
0xde: {  	v22 =	vor.u32 s0, v13;
	[tilespmem:$0xAB0] =	vst v21  }
0xdf: {  	v21 =	vor.u32 s0, v8;
	[tilespmem:$0xA80] =	vst v22  }
0xe0: {  	v22 =	vor.u32 s0, v12;
	[tilespmem:$0x9B0] =	vst v21  }
0xe1: {  	v21 =	vor.u32 s0, v17;
	[tilespmem:$0xA30] =	vst v22  }
0xe2: {  	v22 =	vor.u32 s0, v6;
	[tilespmem:$0xB00] =	vst v21  }
0xe3: {  	v21 =	vor.u32 s0, v15;
	[tilespmem:$0x990] =	vst v22  }
0xe4: {  	[tilespmem:$0xAA0] =	vst v21;
	v21 =	vor.u32 s0, v7  }
0xe5: {  	[tilespmem:$0x9A0] =	vst v21  }
0xe6: {  	[hbm4b:s1+s16] =	stream.indirect.scatter [tilespmem:s15], [sflag:$0x4], $0x80, s23, s16, $0xb8;
	[tilespmem:$0x6AC8] =	vst v63  }
0xe7: {  	_ = 	snop  }
0xe8: {  	[hbm4b:s1+s16] =	stream.indirect.scatter [tilespmem:s15], [sflag:$0x4], $0x80, s24, s16, $0xb8;
	[tilespmem:$0x6AC8] =	vst v63  }
0xe9: {  	_ = 	snop  }
0xea: {  	[hbm4b:s1+s16] =	stream.indirect.scatter [tilespmem:s15], [sflag:$0x4], $0x80, s25, s16, $0xb8;
	[tilespmem:$0x6AC8] =	vst v63  }
0xeb: {  	_ = 	snop  }
0xec: {  	[hbm4b:s1+s16] =	stream.indirect.scatter [tilespmem:s15], [sflag:$0x4], $0x80, s26, s16, $0xb8;
	[tilespmem:$0x6AC8] =	vst v63  }
0xed: {  	_ =	swait.ge [sflag:s28], $0x2000  }
0xee: {  	[sflag:s28] =	ssyncset.done $0x0  }
0xef: {  	[sflag:s28] =	ssyncadd.s32 $0xFFFFE000  }
0xf0: {  	_ =	swait.ge [sflag:s28], $0x2000  }
0xf1: {  	[sflag:s28] =	ssyncset.done $0x0  }
0xf2: {  	s29 =	sadd.s32 $0x1, s29;
	[sflag:s28] =	ssyncadd.s32 $0xFFFFE000  }
0xf3: {  	p1 =	sne.s32 s29, s6;
	_ =	swait.ge [sflag:s28], $0x2000  }
.Ltmp2:
0xf4: {  	[sflag:s28] =	ssyncset.done $0x0;
	(pc) =	sbr.rel @p1 .LBB2_1-.Ltmp2, $4  }
0xf5: {  	[sflag:s28] =	ssyncadd.s32 $0xFFFFE000  }
0xf6: {  	_ =	swait.ge [sflag:s28], $0x2000  }
0xf7: {  	[sflag:s28] =	ssyncset.done $0x0  }
0xf8: {  	[sflag:s28] =	ssyncadd.s32 $0xFFFFE000  }
0xf9: {  	_ =	sfence.sel $0x180000  }
0xfa: {  	[bflag:$0x0] =	sbarrier.arrive $0xFFFF  }
0xfb: {  	_ =	strace $0x90000047  }
0xfc: {  	[bflag:$0x2] =	sbarrier.arrive $0xFFFF  }
0xfd: {  	s0 =	rddreg [dreg:$0x4]  }
0xfe: {  	s0 =	sadd.s32 @!p0 $0x100000, s0  }
0xff: {  	[sflag:s0] =	ssyncadd.tile.s32 @!p0 $0x1;
	_ =	shalt  }
.Lfunc_end2:
_tile_overlayer_lowered:
.L_overlay_start_2:
0x100: {  	(tag) =	ssettag $0x2  }
0x101: {  	s0 =	rddreg [dreg:$0x0];
	s2 =	stileid.u32  }
0x102: {  	s1 =	rddreg [dreg:$0x1];
	p0 =	sne.s32 s2, $0x0  }
0x103: {  	s3 =	rddreg [dreg:$0x2];
	[bflag:$0x3] =	sbarrier.arrive $0xFFFF;
	s2 =	simm.s32 @!p0 $0x1C05  }
0x104: {  	[timem:s3], [sflag:s2] =	dma.local @!p0 [hbm:s0], s1  }
0x105: {  	s0 =	simm.s32 @!p0 $0x5  }
0x106: {  	_ =	swait.ge @!p0 [sflag:s0], s1  }
0x107: {  	s1 =	ssub.s32 @!p0 $0x0, s1;
	[sflag:s0] =	ssyncset.done @!p0 $0x0  }
0x108: {  	[sflag:s0] =	ssyncadd.s32 @!p0 s1  }
0x109: {  	[bflag:$0x3] =	sbarrier.arrive $0xFFFF  }
0x10a: {  	_ =	shalt  }

</sc_bundles>
